<compile_context>
chip_gen: v7x
topology: tpu7x:2x2x1
jax: 0.10.2.dev20260603
libtpu: 0.0.44.dev20260713+nightly
codegen_flags: <defaults>
</compile_context>

<pallas_src>
import functools

import jax
import jax.numpy as jnp
from jax import lax
from jax.experimental import pallas as pl
from jax.experimental.pallas import tpu as pltpu
from jax.experimental.pallas import tpu_sc as plsc

NC = 2
NS = 16
NW = NC * NS
CHUNK = 128
GRP = 16


def _sc_kernel(src, dst, node_bias, emb):
    B = src.shape[0]
    NN, EMB = emb.shape
    total_chunks = B // CHUNK
    mesh = plsc.VectorSubcoreMesh(core_axis_name="c", subcore_axis_name="s")

    def body(src_hbm, dst_hbm, bias_hbm, emb_hbm, sbias_hbm, sdot_hbm,
             bias_v, sidx_v, didx_v, srows_v, drows_v, sb_v, sd_v, sem):
        wid = lax.axis_index("s") * NC + lax.axis_index("c")
        pltpu.sync_copy(bias_hbm, bias_v)
        nchunks = (total_chunks - wid + NW - 1) // NW

        def chunk_body(i, _):
            base = (wid + i * NW) * CHUNK
            pltpu.sync_copy(src_hbm.at[pl.ds(base, CHUNK)], sidx_v)
            pltpu.sync_copy(dst_hbm.at[pl.ds(base, CHUNK)], didx_v)
            c1 = pltpu.async_copy(emb_hbm.at[sidx_v], srows_v, sem)
            c2 = pltpu.async_copy(emb_hbm.at[didx_v], drows_v, sem)
            c1.wait()
            c2.wait()

            def grp_body(g, _):
                off = g * GRP
                sv = sidx_v[pl.ds(off, GRP)]
                dv = didx_v[pl.ds(off, GRP)]
                bs = (plsc.load_gather(bias_v, [sv])
                      + plsc.load_gather(bias_v, [dv]))
                sb_v[pl.ds(off, GRP)] = bs
                rowid = lax.iota(jnp.int32, GRP) + off
                acc = jnp.zeros((GRP,), jnp.float32)
                for d in range(EMB):
                    dsplat = jnp.full((GRP,), d, jnp.int32)
                    a = plsc.load_gather(srows_v, [rowid, dsplat])
                    b = plsc.load_gather(drows_v, [rowid, dsplat])
                    acc = acc + a * b
                sd_v[pl.ds(off, GRP)] = acc
                return 0

            lax.fori_loop(0, CHUNK // GRP, grp_body, 0)
            pltpu.sync_copy(sb_v, sbias_hbm.at[pl.ds(base, CHUNK)])
            pltpu.sync_copy(sd_v, sdot_hbm.at[pl.ds(base, CHUNK)])
            return 0

        lax.fori_loop(0, nchunks, chunk_body, 0)

    f = pl.kernel(
        body,
        out_type=(jax.ShapeDtypeStruct((B,), jnp.float32),
                  jax.ShapeDtypeStruct((B,), jnp.float32)),
        mesh=mesh,
        compiler_params=pltpu.CompilerParams(
            needs_layout_passes=False,
            use_tc_tiling_on_sc=False,
        ),
        scratch_types=[
            pltpu.VMEM((NN,), jnp.float32),
            pltpu.VMEM((CHUNK,), jnp.int32),
            pltpu.VMEM((CHUNK,), jnp.int32),
            pltpu.VMEM((CHUNK, EMB), jnp.float32),
            pltpu.VMEM((CHUNK, EMB), jnp.float32),
            pltpu.VMEM((CHUNK,), jnp.float32),
            pltpu.VMEM((CHUNK,), jnp.float32),
            pltpu.SemaphoreType.DMA,
        ],
    )
    return f(src, dst, node_bias, emb)


_RR = 256
_CC = 625


def _scan_body(beta_sm, t_ref, tp_ref, xp_ref, fac_ref):
    tv = t_ref[...]
    tp = tp_ref[...]
    xp = xp_ref[...]
    mask = tp < tv[:, :, None]
    idxs = lax.broadcasted_iota(jnp.int32, tp.shape, 2)
    idx = jnp.max(jnp.where(mask, idxs, -1), axis=2)
    found = idx >= 0
    onehot = idxs == idx[:, :, None]
    x_last = jnp.sum(jnp.where(onehot, xp, 0.0), axis=2)
    t_last = jnp.sum(jnp.where(onehot, tp, 0.0), axis=2)
    sb = jax.nn.softplus(beta_sm[0, 0])
    fac = jax.nn.sigmoid(x_last) * jnp.exp(-sb * (tv - t_last))
    fac_ref[...] = jnp.where(found, fac, 0.0)


def _scan_tc(t, x_pad, t_pad, beta):
    B, L = t_pad.shape
    br = 8
    grid = _RR // br
    beta2 = jnp.reshape(beta, (1, 1))
    t2 = jnp.reshape(t, (_RR, _CC))
    tp3 = jnp.reshape(t_pad, (_RR, _CC, L))
    xp3 = jnp.reshape(x_pad, (_RR, _CC, L))
    fac = pl.pallas_call(
        _scan_body,
        grid=(grid,),
        in_specs=[
            pl.BlockSpec(memory_space=pltpu.SMEM),
            pl.BlockSpec((br, _CC), lambda i: (i, 0)),
            pl.BlockSpec((br, _CC, L), lambda i: (i, 0, 0)),
            pl.BlockSpec((br, _CC, L), lambda i: (i, 0, 0)),
        ],
        out_specs=pl.BlockSpec((br, _CC), lambda i: (i, 0)),
        out_shape=jax.ShapeDtypeStruct((_RR, _CC), jnp.float32),
    )(beta2, t2, tp3, xp3)
    return jnp.reshape(fac, (B,))


def _combine_body(sbias_ref, sdot_ref, fac_ref, out_ref):
    out_ref[...] = (jax.nn.softplus(sbias_ref[...])
                    + jax.nn.softplus(sdot_ref[...]) * fac_ref[...])


def _combine_tc(sbias, sdot, fac):
    B = sbias.shape[0]
    br = 64
    grid = _RR // br
    spec = pl.BlockSpec((br, _CC), lambda i: (i, 0))
    out = pl.pallas_call(
        _combine_body,
        grid=(grid,),
        in_specs=[spec, spec, spec],
        out_specs=spec,
        out_shape=jax.ShapeDtypeStruct((_RR, _CC), jnp.float32),
    )(jnp.reshape(sbias, (_RR, _CC)), jnp.reshape(sdot, (_RR, _CC)),
      jnp.reshape(fac, (_RR, _CC)))
    return jnp.reshape(out, (B,))


def kernel(src, dst, t, x_pad, t_pad, node_bias, emb, beta):
    src = src.astype(jnp.int32)
    dst = dst.astype(jnp.int32)
    sbias, sdot = _sc_kernel(src, dst, node_bias, emb)
    fac = _scan_tc(t, x_pad, t_pad, beta)
    return _combine_tc(sbias, sdot, fac)

# --- scband reference (transcript-rebuilt; emitter-appended) ---
"""Pipeline reference for scband-markov-75076028334590 (READ-ONLY COPY).

The authoritative reference and input builder live on the scoring server;
editing this copy changes nothing except your own understanding.
"""

import jax, jax.numpy as jnp
import numpy as np

N_NODES = 10000
B = 160000
L = 50
EMB = 64
MEAN_FEAT = 0.0
VAR_FEAT = 1.0


def setup_inputs(seed: int = 0) -> dict:
    key = jax.random.key(seed)
    ks = jax.random.split(key, 8)
    src = jax.random.randint(ks[0], (B,), 0, N_NODES)
    dst = jax.random.randint(ks[1], (B,), 0, N_NODES)
    t = jax.random.uniform(ks[2], (B,), dtype=jnp.float32)
    x_pad = jax.random.normal(ks[3], (B, L), dtype=jnp.float32)
    t_pad = jax.random.uniform(ks[4], (B, L), dtype=jnp.float32)
    # Learned parameters: Poisson base-rate per-node bias, node embeddings for Hawkes kernel, decay rate
    node_bias = jax.random.normal(ks[5], (N_NODES,), dtype=jnp.float32) * 0.1
    emb = jax.random.normal(ks[6], (N_NODES, EMB), dtype=jnp.float32) * 0.05
    beta = jnp.asarray(1.0, dtype=jnp.float32)
    return {"src": src, "dst": dst, "t": t, "x_pad": x_pad, "t_pad": t_pad,
            "node_bias": node_bias, "emb": emb, "beta": beta}


def reference(src, dst, t, x_pad, t_pad, node_bias, emb, beta):
    # Poisson base rate: softplus(bias[src] + bias[dst])  (gather on node table)
    base = jax.nn.softplus(node_bias[src] + node_bias[dst])

    # mask of events strictly before t (Markov.__get_prev_t_mask)
    mask_prev = t_pad < t[:, None]
    # last event before t (Markov.__get_last_t_mask)
    mask_acc = jnp.cumsum(mask_prev.astype(jnp.int32), axis=1)
    counts = jnp.max(mask_acc, axis=1)
    ranks = counts[:, None] - mask_acc
    mask_last = ranks < 1
    mask = mask_last & mask_prev

    is_prev_event = jnp.any(mask, axis=1)
    idx = jnp.argmax(mask, axis=1)  # position of the single True per row (0 if none)

    x_last = jnp.take_along_axis(x_pad, idx[:, None], axis=1)[:, 0]
    # feature normalization (mean_feat / var_feat set)
    x_last = jax.nn.sigmoid((x_last - MEAN_FEAT) / VAR_FEAT)
    t_last = jnp.take_along_axis(t_pad, idx[:, None], axis=1)[:, 0]

    # Hawkes excitation kernel: alpha(src,dst) * x_last * exp(-beta * (t - t_last))
    alpha = jax.nn.softplus(jnp.sum(emb[src] * emb[dst], axis=-1))
    decay = jnp.exp(-jax.nn.softplus(beta) * (t - t_last))
    kern = alpha * x_last * decay

    # incr[is_prev_event] = kernel(...); zeros elsewhere (scatter-by-mask)
    incr = jnp.where(is_prev_event, kern, jnp.zeros_like(kern))
    return (base + incr).astype(jnp.float32)

if __name__ == "__main__":
    import jax
    _d = setup_inputs()
    print(jax.jit(kernel)(*tuple(_d.values())))

</pallas_src>

<mosaic_0001>
#map = affine_map<(d0, d1) -> (0)>
#map1 = affine_map<(d0, d1) -> (0, 0)>
module attributes {stable_mosaic.version = 14 : i64} {
  func.func @body(%arg0: i32, %arg1: i32, %arg2: memref<160000xi32, #tpu.memory_space<hbm>>, %arg3: memref<160000xi32, #tpu.memory_space<hbm>>, %arg4: memref<10000xf32, #tpu.memory_space<hbm>>, %arg5: memref<10000x64xf32, #tpu.memory_space<hbm>>, %arg6: memref<160000xf32, #tpu.memory_space<hbm>>, %arg7: memref<160000xf32, #tpu.memory_space<hbm>>, %arg8: memref<10000xf32, #tpu.memory_space<vmem>>, %arg9: memref<128xi32, #tpu.memory_space<vmem>>, %arg10: memref<128xi32, #tpu.memory_space<vmem>>, %arg11: memref<128x64xf32, #tpu.memory_space<vmem>>, %arg12: memref<128x64xf32, #tpu.memory_space<vmem>>, %arg13: memref<128xf32, #tpu.memory_space<vmem>>, %arg14: memref<128xf32, #tpu.memory_space<vmem>>, %arg15: memref<!tpu.dma_semaphore, #tpu.memory_space<semaphore_mem>>) attributes {dimension_semantics = [#tpu.dimension_semantics<core_parallel>, #tpu.dimension_semantics<subcore_parallel>], iteration_bounds = array<i64: 2, 16>, scalar_prefetch = 0 : i64, scratch_operands = 8 : i64, tpu.core_type = #tpu.core_type<sc_vector_subcore>, window_params = [{transform_indices = #map}, {transform_indices = #map}, {transform_indices = #map}, {transform_indices = #map1}, {transform_indices = #map}, {transform_indices = #map}]} {
    %mul3A = arith.constant 2 : i32
    %mul3A_0 = arith.muli %arg1, %mul3A : i32
    %add3A = arith.addi %mul3A_0, %arg0 : i32
    "tpu.region"() ({
      %run_scoped3A = tpu.sem_alloc : memref<!tpu.dma_semaphore, #tpu.memory_space<semaphore_mem>>
      tpu.enqueue_dma source(%arg4 : memref<10000xf32, #tpu.memory_space<hbm>>) target(%arg8 : memref<10000xf32, #tpu.memory_space<vmem>>) target_semaphore(%run_scoped3A : memref<!tpu.dma_semaphore, #tpu.memory_space<semaphore_mem>>)
      tpu.wait_dma2 semaphore(%run_scoped3A : memref<!tpu.dma_semaphore, #tpu.memory_space<semaphore_mem>>) src(%arg4 : memref<10000xf32, #tpu.memory_space<hbm>>) dst(%arg8 : memref<10000xf32, #tpu.memory_space<vmem>>)
      tpu.yield
    }) : () -> ()
    %sub3A = arith.constant 1250 : i32
    %sub3A_1 = arith.subi %sub3A, %add3A : i32
    %add3A_2 = arith.constant 32 : i32
    %add3A_3 = arith.addi %sub3A_1, %add3A_2 : i32
    %sub3A_4 = arith.constant 1 : i32
    %sub3A_5 = arith.subi %add3A_3, %sub3A_4 : i32
    %jit3A = arith.constant 32 : i32
    %div3A = arith.divsi %sub3A_5, %jit3A : i32
    %sign3A = arith.constant 0 : i32
    %sign3A_6 = arith.cmpi sgt, %sub3A_5, %sign3A : i32
    %sign3A_7 = arith.extui %sign3A_6 : i1 to i32
    %sign3A_8 = arith.constant 0 : i32
    %sign3A_9 = arith.cmpi slt, %sub3A_5, %sign3A_8 : i32
    %sign3A_10 = arith.extui %sign3A_9 : i1 to i32
    %sign3A_11 = arith.subi %sign3A_7, %sign3A_10 : i32
    %sign3A_12 = arith.constant 0 : i32
    %sign3A_13 = arith.cmpi sgt, %jit3A, %sign3A_12 : i32
    %sign3A_14 = arith.extui %sign3A_13 : i1 to i32
    %sign3A_15 = arith.constant 0 : i32
    %sign3A_16 = arith.cmpi slt, %jit3A, %sign3A_15 : i32
    %sign3A_17 = arith.extui %sign3A_16 : i1 to i32
    %sign3A_18 = arith.subi %sign3A_14, %sign3A_17 : i32
    %ne3A = arith.cmpi ne, %sign3A_11, %sign3A_18 : i32
    %rem3A = arith.remsi %sub3A_5, %jit3A : i32
    %ne3A_19 = arith.constant 0 : i32
    %ne3A_20 = arith.cmpi ne, %rem3A, %ne3A_19 : i32
    %and3A = arith.andi %ne3A, %ne3A_20 : i1
    %sub3A_21 = arith.constant 1 : i32
    %sub3A_22 = arith.subi %div3A, %sub3A_21 : i32
    %select_n3A = arith.select %and3A, %sub3A_22, %div3A : i32
    %while3A = arith.constant 0 : i32
    %while3A_23 = arith.constant 0 : i32
    %while3A_24 = arith.subi %select_n3A, %while3A : i32
    %while3A_25 = arith.addi %while3A, %while3A_24 : i32
    %while3A_26 = arith.constant 1 : i32
    %while3A_27 = arith.divsi %while3A_24, %while3A_26 : i32
    %while3A_28 = arith.muli %while3A_27, %while3A_26 : i32
    %while3A_29 = arith.addi %while3A, %while3A_28 : i32
    %while3A_30 = arith.constant 1 : i32
    %while3A_31 = scf.for %while3A_34 = %while3A to %while3A_29 step %while3A_30 iter_args(%while3A_35 = %while3A_23) -> (i32)  : i32 {
      %mul3A_36 = arith.constant 32 : i32
      %mul3A_37 = arith.muli %while3A_34, %mul3A_36 : i32
      %add3A_38 = arith.addi %add3A, %mul3A_37 : i32
      %mul3A_39 = arith.constant 128 : i32
      %mul3A_40 = arith.muli %add3A_38, %mul3A_39 : i32
      "tpu.region"() ({
        %run_scoped3A = tpu.sem_alloc : memref<!tpu.dma_semaphore, #tpu.memory_space<semaphore_mem>>
        %dma_start3A_58 = tpu.memref_slice %arg2[%mul3A_40] : memref<160000xi32, #tpu.memory_space<hbm>> -> memref<128xi32, #tpu.memory_space<hbm>>
        %dma_start3A_59 = tpu.memref_slice %arg2[%mul3A_40] : memref<160000xi32, #tpu.memory_space<hbm>> -> memref<128xi32, #tpu.memory_space<hbm>>
        tpu.enqueue_dma source(%dma_start3A_59 : memref<128xi32, #tpu.memory_space<hbm>>) target(%arg9 : memref<128xi32, #tpu.memory_space<vmem>>) target_semaphore(%run_scoped3A : memref<!tpu.dma_semaphore, #tpu.memory_space<semaphore_mem>>)
        %dma_wait3A_60 = tpu.memref_slice %arg2[%mul3A_40] : memref<160000xi32, #tpu.memory_space<hbm>> -> memref<128xi32, #tpu.memory_space<hbm>>
        %dma_wait3A_61 = tpu.memref_slice %arg2[%mul3A_40] : memref<160000xi32, #tpu.memory_space<hbm>> -> memref<128xi32, #tpu.memory_space<hbm>>
        tpu.wait_dma2 semaphore(%run_scoped3A : memref<!tpu.dma_semaphore, #tpu.memory_space<semaphore_mem>>) src(%dma_wait3A_61 : memref<128xi32, #tpu.memory_space<hbm>>) dst(%arg9 : memref<128xi32, #tpu.memory_space<vmem>>)
        tpu.yield
      }) : () -> ()
      "tpu.region"() ({
        %run_scoped3A = tpu.sem_alloc : memref<!tpu.dma_semaphore, #tpu.memory_space<semaphore_mem>>
        %dma_start3A_58 = tpu.memref_slice %arg3[%mul3A_40] : memref<160000xi32, #tpu.memory_space<hbm>> -> memref<128xi32, #tpu.memory_space<hbm>>
        %dma_start3A_59 = tpu.memref_slice %arg3[%mul3A_40] : memref<160000xi32, #tpu.memory_space<hbm>> -> memref<128xi32, #tpu.memory_space<hbm>>
        tpu.enqueue_dma source(%dma_start3A_59 : memref<128xi32, #tpu.memory_space<hbm>>) target(%arg10 : memref<128xi32, #tpu.memory_space<vmem>>) target_semaphore(%run_scoped3A : memref<!tpu.dma_semaphore, #tpu.memory_space<semaphore_mem>>)
        %dma_wait3A_60 = tpu.memref_slice %arg3[%mul3A_40] : memref<160000xi32, #tpu.memory_space<hbm>> -> memref<128xi32, #tpu.memory_space<hbm>>
        %dma_wait3A_61 = tpu.memref_slice %arg3[%mul3A_40] : memref<160000xi32, #tpu.memory_space<hbm>> -> memref<128xi32, #tpu.memory_space<hbm>>
        tpu.wait_dma2 semaphore(%run_scoped3A : memref<!tpu.dma_semaphore, #tpu.memory_space<semaphore_mem>>) src(%dma_wait3A_61 : memref<128xi32, #tpu.memory_space<hbm>>) dst(%arg10 : memref<128xi32, #tpu.memory_space<vmem>>)
        tpu.yield
      }) : () -> ()
      %dma_start3A = arith.constant 0 : i32
      %dma_start3A_41 = arith.constant 0 : i32
      %dma_start3A_42 = tpu.memref_slice %arg5[%dma_start3A, %dma_start3A_41] : memref<10000x64xf32, #tpu.memory_space<hbm>> -> memref<10000x64xf32, #tpu.memory_space<hbm>>
      tpu.enqueue_indirect_dma source(%dma_start3A_42 : memref<10000x64xf32, #tpu.memory_space<hbm>>) target(%arg11 : memref<128x64xf32, #tpu.memory_space<vmem>>) offsets(%arg9 : memref<128xi32, #tpu.memory_space<vmem>>) semaphore(%arg15 : memref<!tpu.dma_semaphore, #tpu.memory_space<semaphore_mem>>)
      %dma_start3A_43 = arith.constant 0 : i32
      %dma_start3A_44 = arith.constant 0 : i32
      %dma_start3A_45 = tpu.memref_slice %arg5[%dma_start3A_43, %dma_start3A_44] : memref<10000x64xf32, #tpu.memory_space<hbm>> -> memref<10000x64xf32, #tpu.memory_space<hbm>>
      tpu.enqueue_indirect_dma source(%dma_start3A_45 : memref<10000x64xf32, #tpu.memory_space<hbm>>) target(%arg12 : memref<128x64xf32, #tpu.memory_space<vmem>>) offsets(%arg10 : memref<128xi32, #tpu.memory_space<vmem>>) semaphore(%arg15 : memref<!tpu.dma_semaphore, #tpu.memory_space<semaphore_mem>>)
      %dma_wait3A = arith.constant 0 : i32
      %dma_wait3A_46 = arith.constant 0 : i32
      %dma_wait3A_47 = tpu.memref_slice %arg5[%dma_wait3A, %dma_wait3A_46] : memref<10000x64xf32, #tpu.memory_space<hbm>> -> memref<10000x64xf32, #tpu.memory_space<hbm>>
      tpu.wait_indirect_dma semaphore(%arg15 : memref<!tpu.dma_semaphore, #tpu.memory_space<semaphore_mem>>) src(%dma_wait3A_47 : memref<10000x64xf32, #tpu.memory_space<hbm>>) dst(%arg11 : memref<128x64xf32, #tpu.memory_space<vmem>>)
      %dma_wait3A_48 = arith.constant 0 : i32
      %dma_wait3A_49 = arith.constant 0 : i32
      %dma_wait3A_50 = tpu.memref_slice %arg5[%dma_wait3A_48, %dma_wait3A_49] : memref<10000x64xf32, #tpu.memory_space<hbm>> -> memref<10000x64xf32, #tpu.memory_space<hbm>>
      tpu.wait_indirect_dma semaphore(%arg15 : memref<!tpu.dma_semaphore, #tpu.memory_space<semaphore_mem>>) src(%dma_wait3A_50 : memref<10000x64xf32, #tpu.memory_space<hbm>>) dst(%arg12 : memref<128x64xf32, #tpu.memory_space<vmem>>)
      %scan3A = arith.constant 0 : i32
      %scan3A_51 = arith.constant 0 : i32
      %scan3A_52 = arith.constant 8 : i32
      %scan3A_53 = arith.addi %scan3A_51, %scan3A_52 : i32
      %scan3A_54 = arith.constant 1 : i32
      %scan3A_55 = scf.for %scan3A_58 = %scan3A_51 to %scan3A_53 step %scan3A_54 iter_args(%scan3A_59 = %scan3A) -> (i32)  : i32 {
        %mul3A_60 = arith.constant 16 : i32
        %mul3A_61 = arith.muli %scan3A_58, %mul3A_60 : i32
        %get3A = arith.index_cast %mul3A_61 : i32 to index
        %get3A_62 = tpu.vector_load %arg9[%get3A] {strides = array<i32>} : memref<128xi32, #tpu.memory_space<vmem>>, vector<16xi32>,
        %get3A_63 = arith.index_cast %mul3A_61 : i32 to index
        %get3A_64 = tpu.vector_load %arg10[%get3A_63] {strides = array<i32>} : memref<128xi32, #tpu.memory_space<vmem>>, vector<16xi32>,
        %gather3A = tpu.vector_load_idx %arg8[%get3A_62] : memref<10000xf32, #tpu.memory_space<vmem>>[vector<16xi32>], vector<16xf32>,
        %gather3A_65 = tpu.vector_load_idx %arg8[%get3A_64] : memref<10000xf32, #tpu.memory_space<vmem>>[vector<16xi32>], vector<16xf32>,
        %add3A_66 = arith.addf %gather3A, %gather3A_65 : vector<16xf32>
        %swap3A = arith.index_cast %mul3A_61 : i32 to index
        %swap3A_67 = tpu.vector_load %arg13[%swap3A] {strides = array<i32>} : memref<128xf32, #tpu.memory_space<vmem>>, vector<16xf32>,
        tpu.vector_store %arg13[%swap3A], %add3A_66 {strides = array<i32>} : memref<128xf32, #tpu.memory_space<vmem>>, vector<16xf32>,
        %iota3A = tpu.iota {dimensions = array<i32: 0>} : vector<16xi32>
        %add3A_68 = vector.broadcast %mul3A_61 : i32 to vector<16xi32>
        %add3A_69 = arith.addi %iota3A, %add3A_68 : vector<16xi32>
        %broadcast_in_dim3A = arith.constant 0.000000e+00 : f32
        %broadcast_in_dim3A_70 = vector.broadcast %broadcast_in_dim3A : f32 to vector<16xf32>
        %broadcast_in_dim3A_71 = arith.constant 0 : i32
        %broadcast_in_dim3A_72 = vector.broadcast %broadcast_in_dim3A_71 : i32 to vector<16xi32>
        %gather3A_73 = tpu.vector_load_idx %arg11[%add3A_69, %broadcast_in_dim3A_72] : memref<128x64xf32, #tpu.memory_space<vmem>>[vector<16xi32>, vector<16xi32>], vector<16xf32>,
        %gather3A_74 = tpu.vector_load_idx %arg12[%add3A_69, %broadcast_in_dim3A_72] : memref<128x64xf32, #tpu.memory_space<vmem>>[vector<16xi32>, vector<16xi32>], vector<16xf32>,
        %mul3A_75 = arith.mulf %gather3A_73, %gather3A_74 : vector<16xf32>
        %add3A_76 = arith.addf %broadcast_in_dim3A_70, %mul3A_75 : vector<16xf32>
        %broadcast_in_dim3A_77 = arith.constant 1 : i32
        %broadcast_in_dim3A_78 = vector.broadcast %broadcast_in_dim3A_77 : i32 to vector<16xi32>
        %gather3A_79 = tpu.vector_load_idx %arg11[%add3A_69, %broadcast_in_dim3A_78] : memref<128x64xf32, #tpu.memory_space<vmem>>[vector<16xi32>, vector<16xi32>], vector<16xf32>,
        %gather3A_80 = tpu.vector_load_idx %arg12[%add3A_69, %broadcast_in_dim3A_78] : memref<128x64xf32, #tpu.memory_space<vmem>>[vector<16xi32>, vector<16xi32>], vector<16xf32>,
        %mul3A_81 = arith.mulf %gather3A_79, %gather3A_80 : vector<16xf32>
        %add3A_82 = arith.addf %add3A_76, %mul3A_81 : vector<16xf32>
        %broadcast_in_dim3A_83 = arith.constant 2 : i32
        %broadcast_in_dim3A_84 = vector.broadcast %broadcast_in_dim3A_83 : i32 to vector<16xi32>
        %gather3A_85 = tpu.vector_load_idx %arg11[%add3A_69, %broadcast_in_dim3A_84] : memref<128x64xf32, #tpu.memory_space<vmem>>[vector<16xi32>, vector<16xi32>], vector<16xf32>,
        %gather3A_86 = tpu.vector_load_idx %arg12[%add3A_69, %broadcast_in_dim3A_84] : memref<128x64xf32, #tpu.memory_space<vmem>>[vector<16xi32>, vector<16xi32>], vector<16xf32>,
        %mul3A_87 = arith.mulf %gather3A_85, %gather3A_86 : vector<16xf32>
        %add3A_88 = arith.addf %add3A_82, %mul3A_87 : vector<16xf32>
        %broadcast_in_dim3A_89 = arith.constant 3 : i32
        %broadcast_in_dim3A_90 = vector.broadcast %broadcast_in_dim3A_89 : i32 to vector<16xi32>
        %gather3A_91 = tpu.vector_load_idx %arg11[%add3A_69, %broadcast_in_dim3A_90] : memref<128x64xf32, #tpu.memory_space<vmem>>[vector<16xi32>, vector<16xi32>], vector<16xf32>,
        %gather3A_92 = tpu.vector_load_idx %arg12[%add3A_69, %broadcast_in_dim3A_90] : memref<128x64xf32, #tpu.memory_space<vmem>>[vector<16xi32>, vector<16xi32>], vector<16xf32>,
        %mul3A_93 = arith.mulf %gather3A_91, %gather3A_92 : vector<16xf32>
        %add3A_94 = arith.addf %add3A_88, %mul3A_93 : vector<16xf32>
        %broadcast_in_dim3A_95 = arith.constant 4 : i32
        %broadcast_in_dim3A_96 = vector.broadcast %broadcast_in_dim3A_95 : i32 to vector<16xi32>
        %gather3A_97 = tpu.vector_load_idx %arg11[%add3A_69, %broadcast_in_dim3A_96] : memref<128x64xf32, #tpu.memory_space<vmem>>[vector<16xi32>, vector<16xi32>], vector<16xf32>,
        %gather3A_98 = tpu.vector_load_idx %arg12[%add3A_69, %broadcast_in_dim3A_96] : memref<128x64xf32, #tpu.memory_space<vmem>>[vector<16xi32>, vector<16xi32>], vector<16xf32>,
        %mul3A_99 = arith.mulf %gather3A_97, %gather3A_98 : vector<16xf32>
        %add3A_100 = arith.addf %add3A_94, %mul3A_99 : vector<16xf32>
        %broadcast_in_dim3A_101 = arith.constant 5 : i32
        %broadcast_in_dim3A_102 = vector.broadcast %broadcast_in_dim3A_101 : i32 to vector<16xi32>
        %gather3A_103 = tpu.vector_load_idx %arg11[%add3A_69, %broadcast_in_dim3A_102] : memref<128x64xf32, #tpu.memory_space<vmem>>[vector<16xi32>, vector<16xi32>], vector<16xf32>,
        %gather3A_104 = tpu.vector_load_idx %arg12[%add3A_69, %broadcast_in_dim3A_102] : memref<128x64xf32, #tpu.memory_space<vmem>>[vector<16xi32>, vector<16xi32>], vector<16xf32>,
        %mul3A_105 = arith.mulf %gather3A_103, %gather3A_104 : vector<16xf32>
        %add3A_106 = arith.addf %add3A_100, %mul3A_105 : vector<16xf32>
        %broadcast_in_dim3A_107 = arith.constant 6 : i32
        %broadcast_in_dim3A_108 = vector.broadcast %broadcast_in_dim3A_107 : i32 to vector<16xi32>
        %gather3A_109 = tpu.vector_load_idx %arg11[%add3A_69, %broadcast_in_dim3A_108] : memref<128x64xf32, #tpu.memory_space<vmem>>[vector<16xi32>, vector<16xi32>], vector<16xf32>,
        %gather3A_110 = tpu.vector_load_idx %arg12[%add3A_69, %broadcast_in_dim3A_108] : memref<128x64xf32, #tpu.memory_space<vmem>>[vector<16xi32>, vector<16xi32>], vector<16xf32>,
        %mul3A_111 = arith.mulf %gather3A_109, %gather3A_110 : vector<16xf32>
        %add3A_112 = arith.addf %add3A_106, %mul3A_111 : vector<16xf32>
        %broadcast_in_dim3A_113 = arith.constant 7 : i32
        %broadcast_in_dim3A_114 = vector.broadcast %broadcast_in_dim3A_113 : i32 to vector<16xi32>
        %gather3A_115 = tpu.vector_load_idx %arg11[%add3A_69, %broadcast_in_dim3A_114] : memref<128x64xf32, #tpu.memory_space<vmem>>[vector<16xi32>, vector<16xi32>], vector<16xf32>,
        %gather3A_116 = tpu.vector_load_idx %arg12[%add3A_69, %broadcast_in_dim3A_114] : memref<128x64xf32, #tpu.memory_space<vmem>>[vector<16xi32>, vector<16xi32>], vector<16xf32>,
        %mul3A_117 = arith.mulf %gather3A_115, %gather3A_116 : vector<16xf32>
        %add3A_118 = arith.addf %add3A_112, %mul3A_117 : vector<16xf32>
        %broadcast_in_dim3A_119 = arith.constant 8 : i32
        %broadcast_in_dim3A_120 = vector.broadcast %broadcast_in_dim3A_119 : i32 to vector<16xi32>
        %gather3A_121 = tpu.vector_load_idx %arg11[%add3A_69, %broadcast_in_dim3A_120] : memref<128x64xf32, #tpu.memory_space<vmem>>[vector<16xi32>, vector<16xi32>], vector<16xf32>,
        %gather3A_122 = tpu.vector_load_idx %arg12[%add3A_69, %broadcast_in_dim3A_120] : memref<128x64xf32, #tpu.memory_space<vmem>>[vector<16xi32>, vector<16xi32>], vector<16xf32>,
        %mul3A_123 = arith.mulf %gather3A_121, %gather3A_122 : vector<16xf32>
        %add3A_124 = arith.addf %add3A_118, %mul3A_123 : vector<16xf32>
        %broadcast_in_dim3A_125 = arith.constant 9 : i32
        %broadcast_in_dim3A_126 = vector.broadcast %broadcast_in_dim3A_125 : i32 to vector<16xi32>
        %gather3A_127 = tpu.vector_load_idx %arg11[%add3A_69, %broadcast_in_dim3A_126] : memref<128x64xf32, #tpu.memory_space<vmem>>[vector<16xi32>, vector<16xi32>], vector<16xf32>,
        %gather3A_128 = tpu.vector_load_idx %arg12[%add3A_69, %broadcast_in_dim3A_126] : memref<128x64xf32, #tpu.memory_space<vmem>>[vector<16xi32>, vector<16xi32>], vector<16xf32>,
        %mul3A_129 = arith.mulf %gather3A_127, %gather3A_128 : vector<16xf32>
        %add3A_130 = arith.addf %add3A_124, %mul3A_129 : vector<16xf32>
        %broadcast_in_dim3A_131 = arith.constant 10 : i32
        %broadcast_in_dim3A_132 = vector.broadcast %broadcast_in_dim3A_131 : i32 to vector<16xi32>
        %gather3A_133 = tpu.vector_load_idx %arg11[%add3A_69, %broadcast_in_dim3A_132] : memref<128x64xf32, #tpu.memory_space<vmem>>[vector<16xi32>, vector<16xi32>], vector<16xf32>,
        %gather3A_134 = tpu.vector_load_idx %arg12[%add3A_69, %broadcast_in_dim3A_132] : memref<128x64xf32, #tpu.memory_space<vmem>>[vector<16xi32>, vector<16xi32>], vector<16xf32>,
        %mul3A_135 = arith.mulf %gather3A_133, %gather3A_134 : vector<16xf32>
        %add3A_136 = arith.addf %add3A_130, %mul3A_135 : vector<16xf32>
        %broadcast_in_dim3A_137 = arith.constant 11 : i32
        %broadcast_in_dim3A_138 = vector.broadcast %broadcast_in_dim3A_137 : i32 to vector<16xi32>
        %gather3A_139 = tpu.vector_load_idx %arg11[%add3A_69, %broadcast_in_dim3A_138] : memref<128x64xf32, #tpu.memory_space<vmem>>[vector<16xi32>, vector<16xi32>], vector<16xf32>,
        %gather3A_140 = tpu.vector_load_idx %arg12[%add3A_69, %broadcast_in_dim3A_138] : memref<128x64xf32, #tpu.memory_space<vmem>>[vector<16xi32>, vector<16xi32>], vector<16xf32>,
        %mul3A_141 = arith.mulf %gather3A_139, %gather3A_140 : vector<16xf32>
        %add3A_142 = arith.addf %add3A_136, %mul3A_141 : vector<16xf32>
        %broadcast_in_dim3A_143 = arith.constant 12 : i32
        %broadcast_in_dim3A_144 = vector.broadcast %broadcast_in_dim3A_143 : i32 to vector<16xi32>
        %gather3A_145 = tpu.vector_load_idx %arg11[%add3A_69, %broadcast_in_dim3A_144] : memref<128x64xf32, #tpu.memory_space<vmem>>[vector<16xi32>, vector<16xi32>], vector<16xf32>,
        %gather3A_146 = tpu.vector_load_idx %arg12[%add3A_69, %broadcast_in_dim3A_144] : memref<128x64xf32, #tpu.memory_space<vmem>>[vector<16xi32>, vector<16xi32>], vector<16xf32>,
        %mul3A_147 = arith.mulf %gather3A_145, %gather3A_146 : vector<16xf32>
        %add3A_148 = arith.addf %add3A_142, %mul3A_147 : vector<16xf32>
        %broadcast_in_dim3A_149 = arith.constant 13 : i32
        %broadcast_in_dim3A_150 = vector.broadcast %broadcast_in_dim3A_149 : i32 to vector<16xi32>
        %gather3A_151 = tpu.vector_load_idx %arg11[%add3A_69, %broadcast_in_dim3A_150] : memref<128x64xf32, #tpu.memory_space<vmem>>[vector<16xi32>, vector<16xi32>], vector<16xf32>,
        %gather3A_152 = tpu.vector_load_idx %arg12[%add3A_69, %broadcast_in_dim3A_150] : memref<128x64xf32, #tpu.memory_space<vmem>>[vector<16xi32>, vector<16xi32>], vector<16xf32>,
        %mul3A_153 = arith.mulf %gather3A_151, %gather3A_152 : vector<16xf32>
        %add3A_154 = arith.addf %add3A_148, %mul3A_153 : vector<16xf32>
        %broadcast_in_dim3A_155 = arith.constant 14 : i32
        %broadcast_in_dim3A_156 = vector.broadcast %broadcast_in_dim3A_155 : i32 to vector<16xi32>
        %gather3A_157 = tpu.vector_load_idx %arg11[%add3A_69, %broadcast_in_dim3A_156] : memref<128x64xf32, #tpu.memory_space<vmem>>[vector<16xi32>, vector<16xi32>], vector<16xf32>,
        %gather3A_158 = tpu.vector_load_idx %arg12[%add3A_69, %broadcast_in_dim3A_156] : memref<128x64xf32, #tpu.memory_space<vmem>>[vector<16xi32>, vector<16xi32>], vector<16xf32>,
        %mul3A_159 = arith.mulf %gather3A_157, %gather3A_158 : vector<16xf32>
        %add3A_160 = arith.addf %add3A_154, %mul3A_159 : vector<16xf32>
        %broadcast_in_dim3A_161 = arith.constant 15 : i32
        %broadcast_in_dim3A_162 = vector.broadcast %broadcast_in_dim3A_161 : i32 to vector<16xi32>
        %gather3A_163 = tpu.vector_load_idx %arg11[%add3A_69, %broadcast_in_dim3A_162] : memref<128x64xf32, #tpu.memory_space<vmem>>[vector<16xi32>, vector<16xi32>], vector<16xf32>,
        %gather3A_164 = tpu.vector_load_idx %arg12[%add3A_69, %broadcast_in_dim3A_162] : memref<128x64xf32, #tpu.memory_space<vmem>>[vector<16xi32>, vector<16xi32>], vector<16xf32>,
        %mul3A_165 = arith.mulf %gather3A_163, %gather3A_164 : vector<16xf32>
        %add3A_166 = arith.addf %add3A_160, %mul3A_165 : vector<16xf32>
        %broadcast_in_dim3A_167 = arith.constant 16 : i32
        %broadcast_in_dim3A_168 = vector.broadcast %broadcast_in_dim3A_167 : i32 to vector<16xi32>
        %gather3A_169 = tpu.vector_load_idx %arg11[%add3A_69, %broadcast_in_dim3A_168] : memref<128x64xf32, #tpu.memory_space<vmem>>[vector<16xi32>, vector<16xi32>], vector<16xf32>,
        %gather3A_170 = tpu.vector_load_idx %arg12[%add3A_69, %broadcast_in_dim3A_168] : memref<128x64xf32, #tpu.memory_space<vmem>>[vector<16xi32>, vector<16xi32>], vector<16xf32>,
        %mul3A_171 = arith.mulf %gather3A_169, %gather3A_170 : vector<16xf32>
        %add3A_172 = arith.addf %add3A_166, %mul3A_171 : vector<16xf32>
        %broadcast_in_dim3A_173 = arith.constant 17 : i32
        %broadcast_in_dim3A_174 = vector.broadcast %broadcast_in_dim3A_173 : i32 to vector<16xi32>
        %gather3A_175 = tpu.vector_load_idx %arg11[%add3A_69, %broadcast_in_dim3A_174] : memref<128x64xf32, #tpu.memory_space<vmem>>[vector<16xi32>, vector<16xi32>], vector<16xf32>,
        %gather3A_176 = tpu.vector_load_idx %arg12[%add3A_69, %broadcast_in_dim3A_174] : memref<128x64xf32, #tpu.memory_space<vmem>>[vector<16xi32>, vector<16xi32>], vector<16xf32>,
        %mul3A_177 = arith.mulf %gather3A_175, %gather3A_176 : vector<16xf32>
        %add3A_178 = arith.addf %add3A_172, %mul3A_177 : vector<16xf32>
        %broadcast_in_dim3A_179 = arith.constant 18 : i32
        %broadcast_in_dim3A_180 = vector.broadcast %broadcast_in_dim3A_179 : i32 to vector<16xi32>
        %gather3A_181 = tpu.vector_load_idx %arg11[%add3A_69, %broadcast_in_dim3A_180] : memref<128x64xf32, #tpu.memory_space<vmem>>[vector<16xi32>, vector<16xi32>], vector<16xf32>,
        %gather3A_182 = tpu.vector_load_idx %arg12[%add3A_69, %broadcast_in_dim3A_180] : memref<128x64xf32, #tpu.memory_space<vmem>>[vector<16xi32>, vector<16xi32>], vector<16xf32>,
        %mul3A_183 = arith.mulf %gather3A_181, %gather3A_182 : vector<16xf32>
        %add3A_184 = arith.addf %add3A_178, %mul3A_183 : vector<16xf32>
        %broadcast_in_dim3A_185 = arith.constant 19 : i32
        %broadcast_in_dim3A_186 = vector.broadcast %broadcast_in_dim3A_185 : i32 to vector<16xi32>
        %gather3A_187 = tpu.vector_load_idx %arg11[%add3A_69, %broadcast_in_dim3A_186] : memref<128x64xf32, #tpu.memory_space<vmem>>[vector<16xi32>, vector<16xi32>], vector<16xf32>,
        %gather3A_188 = tpu.vector_load_idx %arg12[%add3A_69, %broadcast_in_dim3A_186] : memref<128x64xf32, #tpu.memory_space<vmem>>[vector<16xi32>, vector<16xi32>], vector<16xf32>,
        %mul3A_189 = arith.mulf %gather3A_187, %gather3A_188 : vector<16xf32>
        %add3A_190 = arith.addf %add3A_184, %mul3A_189 : vector<16xf32>
        %broadcast_in_dim3A_191 = arith.constant 20 : i32
        %broadcast_in_dim3A_192 = vector.broadcast %broadcast_in_dim3A_191 : i32 to vector<16xi32>
        %gather3A_193 = tpu.vector_load_idx %arg11[%add3A_69, %broadcast_in_dim3A_192] : memref<128x64xf32, #tpu.memory_space<vmem>>[vector<16xi32>, vector<16xi32>], vector<16xf32>,
        %gather3A_194 = tpu.vector_load_idx %arg12[%add3A_69, %broadcast_in_dim3A_192] : memref<128x64xf32, #tpu.memory_space<vmem>>[vector<16xi32>, vector<16xi32>], vector<16xf32>,
        %mul3A_195 = arith.mulf %gather3A_193, %gather3A_194 : vector<16xf32>
        %add3A_196 = arith.addf %add3A_190, %mul3A_195 : vector<16xf32>
        %broadcast_in_dim3A_197 = arith.constant 21 : i32
        %broadcast_in_dim3A_198 = vector.broadcast %broadcast_in_dim3A_197 : i32 to vector<16xi32>
        %gather3A_199 = tpu.vector_load_idx %arg11[%add3A_69, %broadcast_in_dim3A_198] : memref<128x64xf32, #tpu.memory_space<vmem>>[vector<16xi32>, vector<16xi32>], vector<16xf32>,
        %gather3A_200 = tpu.vector_load_idx %arg12[%add3A_69, %broadcast_in_dim3A_198] : memref<128x64xf32, #tpu.memory_space<vmem>>[vector<16xi32>, vector<16xi32>], vector<16xf32>,
        %mul3A_201 = arith.mulf %gather3A_199, %gather3A_200 : vector<16xf32>
        %add3A_202 = arith.addf %add3A_196, %mul3A_201 : vector<16xf32>
        %broadcast_in_dim3A_203 = arith.constant 22 : i32
        %broadcast_in_dim3A_204 = vector.broadcast %broadcast_in_dim3A_203 : i32 to vector<16xi32>
        %gather3A_205 = tpu.vector_load_idx %arg11[%add3A_69, %broadcast_in_dim3A_204] : memref<128x64xf32, #tpu.memory_space<vmem>>[vector<16xi32>, vector<16xi32>], vector<16xf32>,
        %gather3A_206 = tpu.vector_load_idx %arg12[%add3A_69, %broadcast_in_dim3A_204] : memref<128x64xf32, #tpu.memory_space<vmem>>[vector<16xi32>, vector<16xi32>], vector<16xf32>,
        %mul3A_207 = arith.mulf %gather3A_205, %gather3A_206 : vector<16xf32>
        %add3A_208 = arith.addf %add3A_202, %mul3A_207 : vector<16xf32>
        %broadcast_in_dim3A_209 = arith.constant 23 : i32
        %broadcast_in_dim3A_210 = vector.broadcast %broadcast_in_dim3A_209 : i32 to vector<16xi32>
        %gather3A_211 = tpu.vector_load_idx %arg11[%add3A_69, %broadcast_in_dim3A_210] : memref<128x64xf32, #tpu.memory_space<vmem>>[vector<16xi32>, vector<16xi32>], vector<16xf32>,
        %gather3A_212 = tpu.vector_load_idx %arg12[%add3A_69, %broadcast_in_dim3A_210] : memref<128x64xf32, #tpu.memory_space<vmem>>[vector<16xi32>, vector<16xi32>], vector<16xf32>,
        %mul3A_213 = arith.mulf %gather3A_211, %gather3A_212 : vector<16xf32>
        %add3A_214 = arith.addf %add3A_208, %mul3A_213 : vector<16xf32>
        %broadcast_in_dim3A_215 = arith.constant 24 : i32
        %broadcast_in_dim3A_216 = vector.broadcast %broadcast_in_dim3A_215 : i32 to vector<16xi32>
        %gather3A_217 = tpu.vector_load_idx %arg11[%add3A_69, %broadcast_in_dim3A_216] : memref<128x64xf32, #tpu.memory_space<vmem>>[vector<16xi32>, vector<16xi32>], vector<16xf32>,
        %gather3A_218 = tpu.vector_load_idx %arg12[%add3A_69, %broadcast_in_dim3A_216] : memref<128x64xf32, #tpu.memory_space<vmem>>[vector<16xi32>, vector<16xi32>], vector<16xf32>,
        %mul3A_219 = arith.mulf %gather3A_217, %gather3A_218 : vector<16xf32>
        %add3A_220 = arith.addf %add3A_214, %mul3A_219 : vector<16xf32>
        %broadcast_in_dim3A_221 = arith.constant 25 : i32
        %broadcast_in_dim3A_222 = vector.broadcast %broadcast_in_dim3A_221 : i32 to vector<16xi32>
        %gather3A_223 = tpu.vector_load_idx %arg11[%add3A_69, %broadcast_in_dim3A_222] : memref<128x64xf32, #tpu.memory_space<vmem>>[vector<16xi32>, vector<16xi32>], vector<16xf32>,
        %gather3A_224 = tpu.vector_load_idx %arg12[%add3A_69, %broadcast_in_dim3A_222] : memref<128x64xf32, #tpu.memory_space<vmem>>[vector<16xi32>, vector<16xi32>], vector<16xf32>,
        %mul3A_225 = arith.mulf %gather3A_223, %gather3A_224 : vector<16xf32>
        %add3A_226 = arith.addf %add3A_220, %mul3A_225 : vector<16xf32>
        %broadcast_in_dim3A_227 = arith.constant 26 : i32
        %broadcast_in_dim3A_228 = vector.broadcast %broadcast_in_dim3A_227 : i32 to vector<16xi32>
        %gather3A_229 = tpu.vector_load_idx %arg11[%add3A_69, %broadcast_in_dim3A_228] : memref<128x64xf32, #tpu.memory_space<vmem>>[vector<16xi32>, vector<16xi32>], vector<16xf32>,
        %gather3A_230 = tpu.vector_load_idx %arg12[%add3A_69, %broadcast_in_dim3A_228] : memref<128x64xf32, #tpu.memory_space<vmem>>[vector<16xi32>, vector<16xi32>], vector<16xf32>,
        %mul3A_231 = arith.mulf %gather3A_229, %gather3A_230 : vector<16xf32>
        %add3A_232 = arith.addf %add3A_226, %mul3A_231 : vector<16xf32>
        %broadcast_in_dim3A_233 = arith.constant 27 : i32
        %broadcast_in_dim3A_234 = vector.broadcast %broadcast_in_dim3A_233 : i32 to vector<16xi32>
        %gather3A_235 = tpu.vector_load_idx %arg11[%add3A_69, %broadcast_in_dim3A_234] : memref<128x64xf32, #tpu.memory_space<vmem>>[vector<16xi32>, vector<16xi32>], vector<16xf32>,
        %gather3A_236 = tpu.vector_load_idx %arg12[%add3A_69, %broadcast_in_dim3A_234] : memref<128x64xf32, #tpu.memory_space<vmem>>[vector<16xi32>, vector<16xi32>], vector<16xf32>,
        %mul3A_237 = arith.mulf %gather3A_235, %gather3A_236 : vector<16xf32>
        %add3A_238 = arith.addf %add3A_232, %mul3A_237 : vector<16xf32>
        %broadcast_in_dim3A_239 = arith.constant 28 : i32
        %broadcast_in_dim3A_240 = vector.broadcast %broadcast_in_dim3A_239 : i32 to vector<16xi32>
        %gather3A_241 = tpu.vector_load_idx %arg11[%add3A_69, %broadcast_in_dim3A_240] : memref<128x64xf32, #tpu.memory_space<vmem>>[vector<16xi32>, vector<16xi32>], vector<16xf32>,
        %gather3A_242 = tpu.vector_load_idx %arg12[%add3A_69, %broadcast_in_dim3A_240] : memref<128x64xf32, #tpu.memory_space<vmem>>[vector<16xi32>, vector<16xi32>], vector<16xf32>,
        %mul3A_243 = arith.mulf %gather3A_241, %gather3A_242 : vector<16xf32>
        %add3A_244 = arith.addf %add3A_238, %mul3A_243 : vector<16xf32>
        %broadcast_in_dim3A_245 = arith.constant 29 : i32
        %broadcast_in_dim3A_246 = vector.broadcast %broadcast_in_dim3A_245 : i32 to vector<16xi32>
        %gather3A_247 = tpu.vector_load_idx %arg11[%add3A_69, %broadcast_in_dim3A_246] : memref<128x64xf32, #tpu.memory_space<vmem>>[vector<16xi32>, vector<16xi32>], vector<16xf32>,
        %gather3A_248 = tpu.vector_load_idx %arg12[%add3A_69, %broadcast_in_dim3A_246] : memref<128x64xf32, #tpu.memory_space<vmem>>[vector<16xi32>, vector<16xi32>], vector<16xf32>,
        %mul3A_249 = arith.mulf %gather3A_247, %gather3A_248 : vector<16xf32>
        %add3A_250 = arith.addf %add3A_244, %mul3A_249 : vector<16xf32>
        %broadcast_in_dim3A_251 = arith.constant 30 : i32
        %broadcast_in_dim3A_252 = vector.broadcast %broadcast_in_dim3A_251 : i32 to vector<16xi32>
        %gather3A_253 = tpu.vector_load_idx %arg11[%add3A_69, %broadcast_in_dim3A_252] : memref<128x64xf32, #tpu.memory_space<vmem>>[vector<16xi32>, vector<16xi32>], vector<16xf32>,
        %gather3A_254 = tpu.vector_load_idx %arg12[%add3A_69, %broadcast_in_dim3A_252] : memref<128x64xf32, #tpu.memory_space<vmem>>[vector<16xi32>, vector<16xi32>], vector<16xf32>,
        %mul3A_255 = arith.mulf %gather3A_253, %gather3A_254 : vector<16xf32>
        %add3A_256 = arith.addf %add3A_250, %mul3A_255 : vector<16xf32>
        %broadcast_in_dim3A_257 = arith.constant 31 : i32
        %broadcast_in_dim3A_258 = vector.broadcast %broadcast_in_dim3A_257 : i32 to vector<16xi32>
        %gather3A_259 = tpu.vector_load_idx %arg11[%add3A_69, %broadcast_in_dim3A_258] : memref<128x64xf32, #tpu.memory_space<vmem>>[vector<16xi32>, vector<16xi32>], vector<16xf32>,
        %gather3A_260 = tpu.vector_load_idx %arg12[%add3A_69, %broadcast_in_dim3A_258] : memref<128x64xf32, #tpu.memory_space<vmem>>[vector<16xi32>, vector<16xi32>], vector<16xf32>,
        %mul3A_261 = arith.mulf %gather3A_259, %gather3A_260 : vector<16xf32>
        %add3A_262 = arith.addf %add3A_256, %mul3A_261 : vector<16xf32>
        %broadcast_in_dim3A_263 = arith.constant 32 : i32
        %broadcast_in_dim3A_264 = vector.broadcast %broadcast_in_dim3A_263 : i32 to vector<16xi32>
        %gather3A_265 = tpu.vector_load_idx %arg11[%add3A_69, %broadcast_in_dim3A_264] : memref<128x64xf32, #tpu.memory_space<vmem>>[vector<16xi32>, vector<16xi32>], vector<16xf32>,
        %gather3A_266 = tpu.vector_load_idx %arg12[%add3A_69, %broadcast_in_dim3A_264] : memref<128x64xf32, #tpu.memory_space<vmem>>[vector<16xi32>, vector<16xi32>], vector<16xf32>,
        %mul3A_267 = arith.mulf %gather3A_265, %gather3A_266 : vector<16xf32>
        %add3A_268 = arith.addf %add3A_262, %mul3A_267 : vector<16xf32>
        %broadcast_in_dim3A_269 = arith.constant 33 : i32
        %broadcast_in_dim3A_270 = vector.broadcast %broadcast_in_dim3A_269 : i32 to vector<16xi32>
        %gather3A_271 = tpu.vector_load_idx %arg11[%add3A_69, %broadcast_in_dim3A_270] : memref<128x64xf32, #tpu.memory_space<vmem>>[vector<16xi32>, vector<16xi32>], vector<16xf32>,
        %gather3A_272 = tpu.vector_load_idx %arg12[%add3A_69, %broadcast_in_dim3A_270] : memref<128x64xf32, #tpu.memory_space<vmem>>[vector<16xi32>, vector<16xi32>], vector<16xf32>,
        %mul3A_273 = arith.mulf %gather3A_271, %gather3A_272 : vector<16xf32>
        %add3A_274 = arith.addf %add3A_268, %mul3A_273 : vector<16xf32>
        %broadcast_in_dim3A_275 = arith.constant 34 : i32
        %broadcast_in_dim3A_276 = vector.broadcast %broadcast_in_dim3A_275 : i32 to vector<16xi32>
        %gather3A_277 = tpu.vector_load_idx %arg11[%add3A_69, %broadcast_in_dim3A_276] : memref<128x64xf32, #tpu.memory_space<vmem>>[vector<16xi32>, vector<16xi32>], vector<16xf32>,
        %gather3A_278 = tpu.vector_load_idx %arg12[%add3A_69, %broadcast_in_dim3A_276] : memref<128x64xf32, #tpu.memory_space<vmem>>[vector<16xi32>, vector<16xi32>], vector<16xf32>,
        %mul3A_279 = arith.mulf %gather3A_277, %gather3A_278 : vector<16xf32>
        %add3A_280 = arith.addf %add3A_274, %mul3A_279 : vector<16xf32>
        %broadcast_in_dim3A_281 = arith.constant 35 : i32
        %broadcast_in_dim3A_282 = vector.broadcast %broadcast_in_dim3A_281 : i32 to vector<16xi32>
        %gather3A_283 = tpu.vector_load_idx %arg11[%add3A_69, %broadcast_in_dim3A_282] : memref<128x64xf32, #tpu.memory_space<vmem>>[vector<16xi32>, vector<16xi32>], vector<16xf32>,
        %gather3A_284 = tpu.vector_load_idx %arg12[%add3A_69, %broadcast_in_dim3A_282] : memref<128x64xf32, #tpu.memory_space<vmem>>[vector<16xi32>, vector<16xi32>], vector<16xf32>,
        %mul3A_285 = arith.mulf %gather3A_283, %gather3A_284 : vector<16xf32>
        %add3A_286 = arith.addf %add3A_280, %mul3A_285 : vector<16xf32>
        %broadcast_in_dim3A_287 = arith.constant 36 : i32
        %broadcast_in_dim3A_288 = vector.broadcast %broadcast_in_dim3A_287 : i32 to vector<16xi32>
        %gather3A_289 = tpu.vector_load_idx %arg11[%add3A_69, %broadcast_in_dim3A_288] : memref<128x64xf32, #tpu.memory_space<vmem>>[vector<16xi32>, vector<16xi32>], vector<16xf32>,
        %gather3A_290 = tpu.vector_load_idx %arg12[%add3A_69, %broadcast_in_dim3A_288] : memref<128x64xf32, #tpu.memory_space<vmem>>[vector<16xi32>, vector<16xi32>], vector<16xf32>,
        %mul3A_291 = arith.mulf %gather3A_289, %gather3A_290 : vector<16xf32>
        %add3A_292 = arith.addf %add3A_286, %mul3A_291 : vector<16xf32>
        %broadcast_in_dim3A_293 = arith.constant 37 : i32
        %broadcast_in_dim3A_294 = vector.broadcast %broadcast_in_dim3A_293 : i32 to vector<16xi32>
        %gather3A_295 = tpu.vector_load_idx %arg11[%add3A_69, %broadcast_in_dim3A_294] : memref<128x64xf32, #tpu.memory_space<vmem>>[vector<16xi32>, vector<16xi32>], vector<16xf32>,
        %gather3A_296 = tpu.vector_load_idx %arg12[%add3A_69, %broadcast_in_dim3A_294] : memref<128x64xf32, #tpu.memory_space<vmem>>[vector<16xi32>, vector<16xi32>], vector<16xf32>,
        %mul3A_297 = arith.mulf %gather3A_295, %gather3A_296 : vector<16xf32>
        %add3A_298 = arith.addf %add3A_292, %mul3A_297 : vector<16xf32>
        %broadcast_in_dim3A_299 = arith.constant 38 : i32
        %broadcast_in_dim3A_300 = vector.broadcast %broadcast_in_dim3A_299 : i32 to vector<16xi32>
        %gather3A_301 = tpu.vector_load_idx %arg11[%add3A_69, %broadcast_in_dim3A_300] : memref<128x64xf32, #tpu.memory_space<vmem>>[vector<16xi32>, vector<16xi32>], vector<16xf32>,
        %gather3A_302 = tpu.vector_load_idx %arg12[%add3A_69, %broadcast_in_dim3A_300] : memref<128x64xf32, #tpu.memory_space<vmem>>[vector<16xi32>, vector<16xi32>], vector<16xf32>,
        %mul3A_303 = arith.mulf %gather3A_301, %gather3A_302 : vector<16xf32>
        %add3A_304 = arith.addf %add3A_298, %mul3A_303 : vector<16xf32>
        %broadcast_in_dim3A_305 = arith.constant 39 : i32
        %broadcast_in_dim3A_306 = vector.broadcast %broadcast_in_dim3A_305 : i32 to vector<16xi32>
        %gather3A_307 = tpu.vector_load_idx %arg11[%add3A_69, %broadcast_in_dim3A_306] : memref<128x64xf32, #tpu.memory_space<vmem>>[vector<16xi32>, vector<16xi32>], vector<16xf32>,
        %gather3A_308 = tpu.vector_load_idx %arg12[%add3A_69, %broadcast_in_dim3A_306] : memref<128x64xf32, #tpu.memory_space<vmem>>[vector<16xi32>, vector<16xi32>], vector<16xf32>,
        %mul3A_309 = arith.mulf %gather3A_307, %gather3A_308 : vector<16xf32>
        %add3A_310 = arith.addf %add3A_304, %mul3A_309 : vector<16xf32>
        %broadcast_in_dim3A_311 = arith.constant 40 : i32
        %broadcast_in_dim3A_312 = vector.broadcast %broadcast_in_dim3A_311 : i32 to vector<16xi32>
        %gather3A_313 = tpu.vector_load_idx %arg11[%add3A_69, %broadcast_in_dim3A_312] : memref<128x64xf32, #tpu.memory_space<vmem>>[vector<16xi32>, vector<16xi32>], vector<16xf32>,
        %gather3A_314 = tpu.vector_load_idx %arg12[%add3A_69, %broadcast_in_dim3A_312] : memref<128x64xf32, #tpu.memory_space<vmem>>[vector<16xi32>, vector<16xi32>], vector<16xf32>,
        %mul3A_315 = arith.mulf %gather3A_313, %gather3A_314 : vector<16xf32>
        %add3A_316 = arith.addf %add3A_310, %mul3A_315 : vector<16xf32>
        %broadcast_in_dim3A_317 = arith.constant 41 : i32
        %broadcast_in_dim3A_318 = vector.broadcast %broadcast_in_dim3A_317 : i32 to vector<16xi32>
        %gather3A_319 = tpu.vector_load_idx %arg11[%add3A_69, %broadcast_in_dim3A_318] : memref<128x64xf32, #tpu.memory_space<vmem>>[vector<16xi32>, vector<16xi32>], vector<16xf32>,
        %gather3A_320 = tpu.vector_load_idx %arg12[%add3A_69, %broadcast_in_dim3A_318] : memref<128x64xf32, #tpu.memory_space<vmem>>[vector<16xi32>, vector<16xi32>], vector<16xf32>,
        %mul3A_321 = arith.mulf %gather3A_319, %gather3A_320 : vector<16xf32>
        %add3A_322 = arith.addf %add3A_316, %mul3A_321 : vector<16xf32>
        %broadcast_in_dim3A_323 = arith.constant 42 : i32
        %broadcast_in_dim3A_324 = vector.broadcast %broadcast_in_dim3A_323 : i32 to vector<16xi32>
        %gather3A_325 = tpu.vector_load_idx %arg11[%add3A_69, %broadcast_in_dim3A_324] : memref<128x64xf32, #tpu.memory_space<vmem>>[vector<16xi32>, vector<16xi32>], vector<16xf32>,
        %gather3A_326 = tpu.vector_load_idx %arg12[%add3A_69, %broadcast_in_dim3A_324] : memref<128x64xf32, #tpu.memory_space<vmem>>[vector<16xi32>, vector<16xi32>], vector<16xf32>,
        %mul3A_327 = arith.mulf %gather3A_325, %gather3A_326 : vector<16xf32>
        %add3A_328 = arith.addf %add3A_322, %mul3A_327 : vector<16xf32>
        %broadcast_in_dim3A_329 = arith.constant 43 : i32
        %broadcast_in_dim3A_330 = vector.broadcast %broadcast_in_dim3A_329 : i32 to vector<16xi32>
        %gather3A_331 = tpu.vector_load_idx %arg11[%add3A_69, %broadcast_in_dim3A_330] : memref<128x64xf32, #tpu.memory_space<vmem>>[vector<16xi32>, vector<16xi32>], vector<16xf32>,
        %gather3A_332 = tpu.vector_load_idx %arg12[%add3A_69, %broadcast_in_dim3A_330] : memref<128x64xf32, #tpu.memory_space<vmem>>[vector<16xi32>, vector<16xi32>], vector<16xf32>,
        %mul3A_333 = arith.mulf %gather3A_331, %gather3A_332 : vector<16xf32>
        %add3A_334 = arith.addf %add3A_328, %mul3A_333 : vector<16xf32>
        %broadcast_in_dim3A_335 = arith.constant 44 : i32
        %broadcast_in_dim3A_336 = vector.broadcast %broadcast_in_dim3A_335 : i32 to vector<16xi32>
        %gather3A_337 = tpu.vector_load_idx %arg11[%add3A_69, %broadcast_in_dim3A_336] : memref<128x64xf32, #tpu.memory_space<vmem>>[vector<16xi32>, vector<16xi32>], vector<16xf32>,
        %gather3A_338 = tpu.vector_load_idx %arg12[%add3A_69, %broadcast_in_dim3A_336] : memref<128x64xf32, #tpu.memory_space<vmem>>[vector<16xi32>, vector<16xi32>], vector<16xf32>,
        %mul3A_339 = arith.mulf %gather3A_337, %gather3A_338 : vector<16xf32>
        %add3A_340 = arith.addf %add3A_334, %mul3A_339 : vector<16xf32>
        %broadcast_in_dim3A_341 = arith.constant 45 : i32
        %broadcast_in_dim3A_342 = vector.broadcast %broadcast_in_dim3A_341 : i32 to vector<16xi32>
        %gather3A_343 = tpu.vector_load_idx %arg11[%add3A_69, %broadcast_in_dim3A_342] : memref<128x64xf32, #tpu.memory_space<vmem>>[vector<16xi32>, vector<16xi32>], vector<16xf32>,
        %gather3A_344 = tpu.vector_load_idx %arg12[%add3A_69, %broadcast_in_dim3A_342] : memref<128x64xf32, #tpu.memory_space<vmem>>[vector<16xi32>, vector<16xi32>], vector<16xf32>,
        %mul3A_345 = arith.mulf %gather3A_343, %gather3A_344 : vector<16xf32>
        %add3A_346 = arith.addf %add3A_340, %mul3A_345 : vector<16xf32>
        %broadcast_in_dim3A_347 = arith.constant 46 : i32
        %broadcast_in_dim3A_348 = vector.broadcast %broadcast_in_dim3A_347 : i32 to vector<16xi32>
        %gather3A_349 = tpu.vector_load_idx %arg11[%add3A_69, %broadcast_in_dim3A_348] : memref<128x64xf32, #tpu.memory_space<vmem>>[vector<16xi32>, vector<16xi32>], vector<16xf32>,
        %gather3A_350 = tpu.vector_load_idx %arg12[%add3A_69, %broadcast_in_dim3A_348] : memref<128x64xf32, #tpu.memory_space<vmem>>[vector<16xi32>, vector<16xi32>], vector<16xf32>,
        %mul3A_351 = arith.mulf %gather3A_349, %gather3A_350 : vector<16xf32>
        %add3A_352 = arith.addf %add3A_346, %mul3A_351 : vector<16xf32>
        %broadcast_in_dim3A_353 = arith.constant 47 : i32
        %broadcast_in_dim3A_354 = vector.broadcast %broadcast_in_dim3A_353 : i32 to vector<16xi32>
        %gather3A_355 = tpu.vector_load_idx %arg11[%add3A_69, %broadcast_in_dim3A_354] : memref<128x64xf32, #tpu.memory_space<vmem>>[vector<16xi32>, vector<16xi32>], vector<16xf32>,
        %gather3A_356 = tpu.vector_load_idx %arg12[%add3A_69, %broadcast_in_dim3A_354] : memref<128x64xf32, #tpu.memory_space<vmem>>[vector<16xi32>, vector<16xi32>], vector<16xf32>,
        %mul3A_357 = arith.mulf %gather3A_355, %gather3A_356 : vector<16xf32>
        %add3A_358 = arith.addf %add3A_352, %mul3A_357 : vector<16xf32>
        %broadcast_in_dim3A_359 = arith.constant 48 : i32
        %broadcast_in_dim3A_360 = vector.broadcast %broadcast_in_dim3A_359 : i32 to vector<16xi32>
        %gather3A_361 = tpu.vector_load_idx %arg11[%add3A_69, %broadcast_in_dim3A_360] : memref<128x64xf32, #tpu.memory_space<vmem>>[vector<16xi32>, vector<16xi32>], vector<16xf32>,
        %gather3A_362 = tpu.vector_load_idx %arg12[%add3A_69, %broadcast_in_dim3A_360] : memref<128x64xf32, #tpu.memory_space<vmem>>[vector<16xi32>, vector<16xi32>], vector<16xf32>,
        %mul3A_363 = arith.mulf %gather3A_361, %gather3A_362 : vector<16xf32>
        %add3A_364 = arith.addf %add3A_358, %mul3A_363 : vector<16xf32>
        %broadcast_in_dim3A_365 = arith.constant 49 : i32
        %broadcast_in_dim3A_366 = vector.broadcast %broadcast_in_dim3A_365 : i32 to vector<16xi32>
        %gather3A_367 = tpu.vector_load_idx %arg11[%add3A_69, %broadcast_in_dim3A_366] : memref<128x64xf32, #tpu.memory_space<vmem>>[vector<16xi32>, vector<16xi32>], vector<16xf32>,
        %gather3A_368 = tpu.vector_load_idx %arg12[%add3A_69, %broadcast_in_dim3A_366] : memref<128x64xf32, #tpu.memory_space<vmem>>[vector<16xi32>, vector<16xi32>], vector<16xf32>,
        %mul3A_369 = arith.mulf %gather3A_367, %gather3A_368 : vector<16xf32>
        %add3A_370 = arith.addf %add3A_364, %mul3A_369 : vector<16xf32>
        %broadcast_in_dim3A_371 = arith.constant 50 : i32
        %broadcast_in_dim3A_372 = vector.broadcast %broadcast_in_dim3A_371 : i32 to vector<16xi32>
        %gather3A_373 = tpu.vector_load_idx %arg11[%add3A_69, %broadcast_in_dim3A_372] : memref<128x64xf32, #tpu.memory_space<vmem>>[vector<16xi32>, vector<16xi32>], vector<16xf32>,
        %gather3A_374 = tpu.vector_load_idx %arg12[%add3A_69, %broadcast_in_dim3A_372] : memref<128x64xf32, #tpu.memory_space<vmem>>[vector<16xi32>, vector<16xi32>], vector<16xf32>,
        %mul3A_375 = arith.mulf %gather3A_373, %gather3A_374 : vector<16xf32>
        %add3A_376 = arith.addf %add3A_370, %mul3A_375 : vector<16xf32>
        %broadcast_in_dim3A_377 = arith.constant 51 : i32
        %broadcast_in_dim3A_378 = vector.broadcast %broadcast_in_dim3A_377 : i32 to vector<16xi32>
        %gather3A_379 = tpu.vector_load_idx %arg11[%add3A_69, %broadcast_in_dim3A_378] : memref<128x64xf32, #tpu.memory_space<vmem>>[vector<16xi32>, vector<16xi32>], vector<16xf32>,
        %gather3A_380 = tpu.vector_load_idx %arg12[%add3A_69, %broadcast_in_dim3A_378] : memref<128x64xf32, #tpu.memory_space<vmem>>[vector<16xi32>, vector<16xi32>], vector<16xf32>,
        %mul3A_381 = arith.mulf %gather3A_379, %gather3A_380 : vector<16xf32>
        %add3A_382 = arith.addf %add3A_376, %mul3A_381 : vector<16xf32>
        %broadcast_in_dim3A_383 = arith.constant 52 : i32
        %broadcast_in_dim3A_384 = vector.broadcast %broadcast_in_dim3A_383 : i32 to vector<16xi32>
        %gather3A_385 = tpu.vector_load_idx %arg11[%add3A_69, %broadcast_in_dim3A_384] : memref<128x64xf32, #tpu.memory_space<vmem>>[vector<16xi32>, vector<16xi32>], vector<16xf32>,
        %gather3A_386 = tpu.vector_load_idx %arg12[%add3A_69, %broadcast_in_dim3A_384] : memref<128x64xf32, #tpu.memory_space<vmem>>[vector<16xi32>, vector<16xi32>], vector<16xf32>,
        %mul3A_387 = arith.mulf %gather3A_385, %gather3A_386 : vector<16xf32>
        %add3A_388 = arith.addf %add3A_382, %mul3A_387 : vector<16xf32>
        %broadcast_in_dim3A_389 = arith.constant 53 : i32
        %broadcast_in_dim3A_390 = vector.broadcast %broadcast_in_dim3A_389 : i32 to vector<16xi32>
        %gather3A_391 = tpu.vector_load_idx %arg11[%add3A_69, %broadcast_in_dim3A_390] : memref<128x64xf32, #tpu.memory_space<vmem>>[vector<16xi32>, vector<16xi32>], vector<16xf32>,
        %gather3A_392 = tpu.vector_load_idx %arg12[%add3A_69, %broadcast_in_dim3A_390] : memref<128x64xf32, #tpu.memory_space<vmem>>[vector<16xi32>, vector<16xi32>], vector<16xf32>,
        %mul3A_393 = arith.mulf %gather3A_391, %gather3A_392 : vector<16xf32>
        %add3A_394 = arith.addf %add3A_388, %mul3A_393 : vector<16xf32>
        %broadcast_in_dim3A_395 = arith.constant 54 : i32
        %broadcast_in_dim3A_396 = vector.broadcast %broadcast_in_dim3A_395 : i32 to vector<16xi32>
        %gather3A_397 = tpu.vector_load_idx %arg11[%add3A_69, %broadcast_in_dim3A_396] : memref<128x64xf32, #tpu.memory_space<vmem>>[vector<16xi32>, vector<16xi32>], vector<16xf32>,
        %gather3A_398 = tpu.vector_load_idx %arg12[%add3A_69, %broadcast_in_dim3A_396] : memref<128x64xf32, #tpu.memory_space<vmem>>[vector<16xi32>, vector<16xi32>], vector<16xf32>,
        %mul3A_399 = arith.mulf %gather3A_397, %gather3A_398 : vector<16xf32>
        %add3A_400 = arith.addf %add3A_394, %mul3A_399 : vector<16xf32>
        %broadcast_in_dim3A_401 = arith.constant 55 : i32
        %broadcast_in_dim3A_402 = vector.broadcast %broadcast_in_dim3A_401 : i32 to vector<16xi32>
        %gather3A_403 = tpu.vector_load_idx %arg11[%add3A_69, %broadcast_in_dim3A_402] : memref<128x64xf32, #tpu.memory_space<vmem>>[vector<16xi32>, vector<16xi32>], vector<16xf32>,
        %gather3A_404 = tpu.vector_load_idx %arg12[%add3A_69, %broadcast_in_dim3A_402] : memref<128x64xf32, #tpu.memory_space<vmem>>[vector<16xi32>, vector<16xi32>], vector<16xf32>,
        %mul3A_405 = arith.mulf %gather3A_403, %gather3A_404 : vector<16xf32>
        %add3A_406 = arith.addf %add3A_400, %mul3A_405 : vector<16xf32>
        %broadcast_in_dim3A_407 = arith.constant 56 : i32
        %broadcast_in_dim3A_408 = vector.broadcast %broadcast_in_dim3A_407 : i32 to vector<16xi32>
        %gather3A_409 = tpu.vector_load_idx %arg11[%add3A_69, %broadcast_in_dim3A_408] : memref<128x64xf32, #tpu.memory_space<vmem>>[vector<16xi32>, vector<16xi32>], vector<16xf32>,
        %gather3A_410 = tpu.vector_load_idx %arg12[%add3A_69, %broadcast_in_dim3A_408] : memref<128x64xf32, #tpu.memory_space<vmem>>[vector<16xi32>, vector<16xi32>], vector<16xf32>,
        %mul3A_411 = arith.mulf %gather3A_409, %gather3A_410 : vector<16xf32>
        %add3A_412 = arith.addf %add3A_406, %mul3A_411 : vector<16xf32>
        %broadcast_in_dim3A_413 = arith.constant 57 : i32
        %broadcast_in_dim3A_414 = vector.broadcast %broadcast_in_dim3A_413 : i32 to vector<16xi32>
        %gather3A_415 = tpu.vector_load_idx %arg11[%add3A_69, %broadcast_in_dim3A_414] : memref<128x64xf32, #tpu.memory_space<vmem>>[vector<16xi32>, vector<16xi32>], vector<16xf32>,
        %gather3A_416 = tpu.vector_load_idx %arg12[%add3A_69, %broadcast_in_dim3A_414] : memref<128x64xf32, #tpu.memory_space<vmem>>[vector<16xi32>, vector<16xi32>], vector<16xf32>,
        %mul3A_417 = arith.mulf %gather3A_415, %gather3A_416 : vector<16xf32>
        %add3A_418 = arith.addf %add3A_412, %mul3A_417 : vector<16xf32>
        %broadcast_in_dim3A_419 = arith.constant 58 : i32
        %broadcast_in_dim3A_420 = vector.broadcast %broadcast_in_dim3A_419 : i32 to vector<16xi32>
        %gather3A_421 = tpu.vector_load_idx %arg11[%add3A_69, %broadcast_in_dim3A_420] : memref<128x64xf32, #tpu.memory_space<vmem>>[vector<16xi32>, vector<16xi32>], vector<16xf32>,
        %gather3A_422 = tpu.vector_load_idx %arg12[%add3A_69, %broadcast_in_dim3A_420] : memref<128x64xf32, #tpu.memory_space<vmem>>[vector<16xi32>, vector<16xi32>], vector<16xf32>,
        %mul3A_423 = arith.mulf %gather3A_421, %gather3A_422 : vector<16xf32>
        %add3A_424 = arith.addf %add3A_418, %mul3A_423 : vector<16xf32>
        %broadcast_in_dim3A_425 = arith.constant 59 : i32
        %broadcast_in_dim3A_426 = vector.broadcast %broadcast_in_dim3A_425 : i32 to vector<16xi32>
        %gather3A_427 = tpu.vector_load_idx %arg11[%add3A_69, %broadcast_in_dim3A_426] : memref<128x64xf32, #tpu.memory_space<vmem>>[vector<16xi32>, vector<16xi32>], vector<16xf32>,
        %gather3A_428 = tpu.vector_load_idx %arg12[%add3A_69, %broadcast_in_dim3A_426] : memref<128x64xf32, #tpu.memory_space<vmem>>[vector<16xi32>, vector<16xi32>], vector<16xf32>,
        %mul3A_429 = arith.mulf %gather3A_427, %gather3A_428 : vector<16xf32>
        %add3A_430 = arith.addf %add3A_424, %mul3A_429 : vector<16xf32>
        %broadcast_in_dim3A_431 = arith.constant 60 : i32
        %broadcast_in_dim3A_432 = vector.broadcast %broadcast_in_dim3A_431 : i32 to vector<16xi32>
        %gather3A_433 = tpu.vector_load_idx %arg11[%add3A_69, %broadcast_in_dim3A_432] : memref<128x64xf32, #tpu.memory_space<vmem>>[vector<16xi32>, vector<16xi32>], vector<16xf32>,
        %gather3A_434 = tpu.vector_load_idx %arg12[%add3A_69, %broadcast_in_dim3A_432] : memref<128x64xf32, #tpu.memory_space<vmem>>[vector<16xi32>, vector<16xi32>], vector<16xf32>,
        %mul3A_435 = arith.mulf %gather3A_433, %gather3A_434 : vector<16xf32>
        %add3A_436 = arith.addf %add3A_430, %mul3A_435 : vector<16xf32>
        %broadcast_in_dim3A_437 = arith.constant 61 : i32
        %broadcast_in_dim3A_438 = vector.broadcast %broadcast_in_dim3A_437 : i32 to vector<16xi32>
        %gather3A_439 = tpu.vector_load_idx %arg11[%add3A_69, %broadcast_in_dim3A_438] : memref<128x64xf32, #tpu.memory_space<vmem>>[vector<16xi32>, vector<16xi32>], vector<16xf32>,
        %gather3A_440 = tpu.vector_load_idx %arg12[%add3A_69, %broadcast_in_dim3A_438] : memref<128x64xf32, #tpu.memory_space<vmem>>[vector<16xi32>, vector<16xi32>], vector<16xf32>,
        %mul3A_441 = arith.mulf %gather3A_439, %gather3A_440 : vector<16xf32>
        %add3A_442 = arith.addf %add3A_436, %mul3A_441 : vector<16xf32>
        %broadcast_in_dim3A_443 = arith.constant 62 : i32
        %broadcast_in_dim3A_444 = vector.broadcast %broadcast_in_dim3A_443 : i32 to vector<16xi32>
        %gather3A_445 = tpu.vector_load_idx %arg11[%add3A_69, %broadcast_in_dim3A_444] : memref<128x64xf32, #tpu.memory_space<vmem>>[vector<16xi32>, vector<16xi32>], vector<16xf32>,
        %gather3A_446 = tpu.vector_load_idx %arg12[%add3A_69, %broadcast_in_dim3A_444] : memref<128x64xf32, #tpu.memory_space<vmem>>[vector<16xi32>, vector<16xi32>], vector<16xf32>,
        %mul3A_447 = arith.mulf %gather3A_445, %gather3A_446 : vector<16xf32>
        %add3A_448 = arith.addf %add3A_442, %mul3A_447 : vector<16xf32>
        %broadcast_in_dim3A_449 = arith.constant 63 : i32
        %broadcast_in_dim3A_450 = vector.broadcast %broadcast_in_dim3A_449 : i32 to vector<16xi32>
        %gather3A_451 = tpu.vector_load_idx %arg11[%add3A_69, %broadcast_in_dim3A_450] : memref<128x64xf32, #tpu.memory_space<vmem>>[vector<16xi32>, vector<16xi32>], vector<16xf32>,
        %gather3A_452 = tpu.vector_load_idx %arg12[%add3A_69, %broadcast_in_dim3A_450] : memref<128x64xf32, #tpu.memory_space<vmem>>[vector<16xi32>, vector<16xi32>], vector<16xf32>,
        %mul3A_453 = arith.mulf %gather3A_451, %gather3A_452 : vector<16xf32>
        %add3A_454 = arith.addf %add3A_448, %mul3A_453 : vector<16xf32>
        %swap3A_455 = arith.index_cast %mul3A_61 : i32 to index
        %swap3A_456 = tpu.vector_load %arg14[%swap3A_455] {strides = array<i32>} : memref<128xf32, #tpu.memory_space<vmem>>, vector<16xf32>,
        tpu.vector_store %arg14[%swap3A_455], %add3A_454 {strides = array<i32>} : memref<128xf32, #tpu.memory_space<vmem>>, vector<16xf32>,
        %scan3A_457 = arith.constant 0 : i32
        scf.yield %scan3A_457 : i32
      }
      %scan3A_56 = arith.constant 8 : i32
      "tpu.region"() ({
        %run_scoped3A = tpu.sem_alloc : memref<!tpu.dma_semaphore, #tpu.memory_space<semaphore_mem>>
        %dma_start3A_58 = tpu.memref_slice %arg6[%mul3A_40] : memref<160000xf32, #tpu.memory_space<hbm>> -> memref<128xf32, #tpu.memory_space<hbm>>
        %dma_start3A_59 = tpu.memref_slice %arg6[%mul3A_40] : memref<160000xf32, #tpu.memory_space<hbm>> -> memref<128xf32, #tpu.memory_space<hbm>>
        tpu.enqueue_dma source(%arg13 : memref<128xf32, #tpu.memory_space<vmem>>) target(%dma_start3A_59 : memref<128xf32, #tpu.memory_space<hbm>>) target_semaphore(%run_scoped3A : memref<!tpu.dma_semaphore, #tpu.memory_space<semaphore_mem>>)
        %dma_wait3A_60 = tpu.memref_slice %arg6[%mul3A_40] : memref<160000xf32, #tpu.memory_space<hbm>> -> memref<128xf32, #tpu.memory_space<hbm>>
        %dma_wait3A_61 = tpu.memref_slice %arg6[%mul3A_40] : memref<160000xf32, #tpu.memory_space<hbm>> -> memref<128xf32, #tpu.memory_space<hbm>>
        tpu.wait_dma2 semaphore(%run_scoped3A : memref<!tpu.dma_semaphore, #tpu.memory_space<semaphore_mem>>) src(%arg13 : memref<128xf32, #tpu.memory_space<vmem>>) dst(%dma_wait3A_61 : memref<128xf32, #tpu.memory_space<hbm>>)
        tpu.yield
      }) : () -> ()
      "tpu.region"() ({
        %run_scoped3A = tpu.sem_alloc : memref<!tpu.dma_semaphore, #tpu.memory_space<semaphore_mem>>
        %dma_start3A_58 = tpu.memref_slice %arg7[%mul3A_40] : memref<160000xf32, #tpu.memory_space<hbm>> -> memref<128xf32, #tpu.memory_space<hbm>>
        %dma_start3A_59 = tpu.memref_slice %arg7[%mul3A_40] : memref<160000xf32, #tpu.memory_space<hbm>> -> memref<128xf32, #tpu.memory_space<hbm>>
        tpu.enqueue_dma source(%arg14 : memref<128xf32, #tpu.memory_space<vmem>>) target(%dma_start3A_59 : memref<128xf32, #tpu.memory_space<hbm>>) target_semaphore(%run_scoped3A : memref<!tpu.dma_semaphore, #tpu.memory_space<semaphore_mem>>)
        %dma_wait3A_60 = tpu.memref_slice %arg7[%mul3A_40] : memref<160000xf32, #tpu.memory_space<hbm>> -> memref<128xf32, #tpu.memory_space<hbm>>
        %dma_wait3A_61 = tpu.memref_slice %arg7[%mul3A_40] : memref<160000xf32, #tpu.memory_space<hbm>> -> memref<128xf32, #tpu.memory_space<hbm>>
        tpu.wait_dma2 semaphore(%run_scoped3A : memref<!tpu.dma_semaphore, #tpu.memory_space<semaphore_mem>>) src(%arg14 : memref<128xf32, #tpu.memory_space<vmem>>) dst(%dma_wait3A_61 : memref<128xf32, #tpu.memory_space<hbm>>)
        tpu.yield
      }) : () -> ()
      %while3A_57 = arith.constant 0 : i32
      scf.yield %while3A_57 : i32
    }
    %while3A_32 = arith.constant 1 : i32
    %while3A_33 = scf.for %while3A_34 = %while3A_29 to %while3A_25 step %while3A_32 iter_args(%while3A_35 = %while3A_31) -> (i32)  : i32 {
      %mul3A_36 = arith.constant 32 : i32
      %mul3A_37 = arith.muli %while3A_34, %mul3A_36 : i32
      %add3A_38 = arith.addi %add3A, %mul3A_37 : i32
      %mul3A_39 = arith.constant 128 : i32
      %mul3A_40 = arith.muli %add3A_38, %mul3A_39 : i32
      "tpu.region"() ({
        %run_scoped3A = tpu.sem_alloc : memref<!tpu.dma_semaphore, #tpu.memory_space<semaphore_mem>>
        %dma_start3A_58 = tpu.memref_slice %arg2[%mul3A_40] : memref<160000xi32, #tpu.memory_space<hbm>> -> memref<128xi32, #tpu.memory_space<hbm>>
        %dma_start3A_59 = tpu.memref_slice %arg2[%mul3A_40] : memref<160000xi32, #tpu.memory_space<hbm>> -> memref<128xi32, #tpu.memory_space<hbm>>
        tpu.enqueue_dma source(%dma_start3A_59 : memref<128xi32, #tpu.memory_space<hbm>>) target(%arg9 : memref<128xi32, #tpu.memory_space<vmem>>) target_semaphore(%run_scoped3A : memref<!tpu.dma_semaphore, #tpu.memory_space<semaphore_mem>>)
        %dma_wait3A_60 = tpu.memref_slice %arg2[%mul3A_40] : memref<160000xi32, #tpu.memory_space<hbm>> -> memref<128xi32, #tpu.memory_space<hbm>>
        %dma_wait3A_61 = tpu.memref_slice %arg2[%mul3A_40] : memref<160000xi32, #tpu.memory_space<hbm>> -> memref<128xi32, #tpu.memory_space<hbm>>
        tpu.wait_dma2 semaphore(%run_scoped3A : memref<!tpu.dma_semaphore, #tpu.memory_space<semaphore_mem>>) src(%dma_wait3A_61 : memref<128xi32, #tpu.memory_space<hbm>>) dst(%arg9 : memref<128xi32, #tpu.memory_space<vmem>>)
        tpu.yield
      }) : () -> ()
      "tpu.region"() ({
        %run_scoped3A = tpu.sem_alloc : memref<!tpu.dma_semaphore, #tpu.memory_space<semaphore_mem>>
        %dma_start3A_58 = tpu.memref_slice %arg3[%mul3A_40] : memref<160000xi32, #tpu.memory_space<hbm>> -> memref<128xi32, #tpu.memory_space<hbm>>
        %dma_start3A_59 = tpu.memref_slice %arg3[%mul3A_40] : memref<160000xi32, #tpu.memory_space<hbm>> -> memref<128xi32, #tpu.memory_space<hbm>>
        tpu.enqueue_dma source(%dma_start3A_59 : memref<128xi32, #tpu.memory_space<hbm>>) target(%arg10 : memref<128xi32, #tpu.memory_space<vmem>>) target_semaphore(%run_scoped3A : memref<!tpu.dma_semaphore, #tpu.memory_space<semaphore_mem>>)
        %dma_wait3A_60 = tpu.memref_slice %arg3[%mul3A_40] : memref<160000xi32, #tpu.memory_space<hbm>> -> memref<128xi32, #tpu.memory_space<hbm>>
        %dma_wait3A_61 = tpu.memref_slice %arg3[%mul3A_40] : memref<160000xi32, #tpu.memory_space<hbm>> -> memref<128xi32, #tpu.memory_space<hbm>>
        tpu.wait_dma2 semaphore(%run_scoped3A : memref<!tpu.dma_semaphore, #tpu.memory_space<semaphore_mem>>) src(%dma_wait3A_61 : memref<128xi32, #tpu.memory_space<hbm>>) dst(%arg10 : memref<128xi32, #tpu.memory_space<vmem>>)
        tpu.yield
      }) : () -> ()
      %dma_start3A = arith.constant 0 : i32
      %dma_start3A_41 = arith.constant 0 : i32
      %dma_start3A_42 = tpu.memref_slice %arg5[%dma_start3A, %dma_start3A_41] : memref<10000x64xf32, #tpu.memory_space<hbm>> -> memref<10000x64xf32, #tpu.memory_space<hbm>>
      tpu.enqueue_indirect_dma source(%dma_start3A_42 : memref<10000x64xf32, #tpu.memory_space<hbm>>) target(%arg11 : memref<128x64xf32, #tpu.memory_space<vmem>>) offsets(%arg9 : memref<128xi32, #tpu.memory_space<vmem>>) semaphore(%arg15 : memref<!tpu.dma_semaphore, #tpu.memory_space<semaphore_mem>>)
      %dma_start3A_43 = arith.constant 0 : i32
      %dma_start3A_44 = arith.constant 0 : i32
      %dma_start3A_45 = tpu.memref_slice %arg5[%dma_start3A_43, %dma_start3A_44] : memref<10000x64xf32, #tpu.memory_space<hbm>> -> memref<10000x64xf32, #tpu.memory_space<hbm>>
      tpu.enqueue_indirect_dma source(%dma_start3A_45 : memref<10000x64xf32, #tpu.memory_space<hbm>>) target(%arg12 : memref<128x64xf32, #tpu.memory_space<vmem>>) offsets(%arg10 : memref<128xi32, #tpu.memory_space<vmem>>) semaphore(%arg15 : memref<!tpu.dma_semaphore, #tpu.memory_space<semaphore_mem>>)
      %dma_wait3A = arith.constant 0 : i32
      %dma_wait3A_46 = arith.constant 0 : i32
      %dma_wait3A_47 = tpu.memref_slice %arg5[%dma_wait3A, %dma_wait3A_46] : memref<10000x64xf32, #tpu.memory_space<hbm>> -> memref<10000x64xf32, #tpu.memory_space<hbm>>
      tpu.wait_indirect_dma semaphore(%arg15 : memref<!tpu.dma_semaphore, #tpu.memory_space<semaphore_mem>>) src(%dma_wait3A_47 : memref<10000x64xf32, #tpu.memory_space<hbm>>) dst(%arg11 : memref<128x64xf32, #tpu.memory_space<vmem>>)
      %dma_wait3A_48 = arith.constant 0 : i32
      %dma_wait3A_49 = arith.constant 0 : i32
      %dma_wait3A_50 = tpu.memref_slice %arg5[%dma_wait3A_48, %dma_wait3A_49] : memref<10000x64xf32, #tpu.memory_space<hbm>> -> memref<10000x64xf32, #tpu.memory_space<hbm>>
      tpu.wait_indirect_dma semaphore(%arg15 : memref<!tpu.dma_semaphore, #tpu.memory_space<semaphore_mem>>) src(%dma_wait3A_50 : memref<10000x64xf32, #tpu.memory_space<hbm>>) dst(%arg12 : memref<128x64xf32, #tpu.memory_space<vmem>>)
      %scan3A = arith.constant 0 : i32
      %scan3A_51 = arith.constant 0 : i32
      %scan3A_52 = arith.constant 8 : i32
      %scan3A_53 = arith.addi %scan3A_51, %scan3A_52 : i32
      %scan3A_54 = arith.constant 1 : i32
      %scan3A_55 = scf.for %scan3A_58 = %scan3A_51 to %scan3A_53 step %scan3A_54 iter_args(%scan3A_59 = %scan3A) -> (i32)  : i32 {
        %mul3A_60 = arith.constant 16 : i32
        %mul3A_61 = arith.muli %scan3A_58, %mul3A_60 : i32
        %get3A = arith.index_cast %mul3A_61 : i32 to index
        %get3A_62 = tpu.vector_load %arg9[%get3A] {strides = array<i32>} : memref<128xi32, #tpu.memory_space<vmem>>, vector<16xi32>,
        %get3A_63 = arith.index_cast %mul3A_61 : i32 to index
        %get3A_64 = tpu.vector_load %arg10[%get3A_63] {strides = array<i32>} : memref<128xi32, #tpu.memory_space<vmem>>, vector<16xi32>,
        %gather3A = tpu.vector_load_idx %arg8[%get3A_62] : memref<10000xf32, #tpu.memory_space<vmem>>[vector<16xi32>], vector<16xf32>,
        %gather3A_65 = tpu.vector_load_idx %arg8[%get3A_64] : memref<10000xf32, #tpu.memory_space<vmem>>[vector<16xi32>], vector<16xf32>,
        %add3A_66 = arith.addf %gather3A, %gather3A_65 : vector<16xf32>
        %swap3A = arith.index_cast %mul3A_61 : i32 to index
        %swap3A_67 = tpu.vector_load %arg13[%swap3A] {strides = array<i32>} : memref<128xf32, #tpu.memory_space<vmem>>, vector<16xf32>,
        tpu.vector_store %arg13[%swap3A], %add3A_66 {strides = array<i32>} : memref<128xf32, #tpu.memory_space<vmem>>, vector<16xf32>,
        %iota3A = tpu.iota {dimensions = array<i32: 0>} : vector<16xi32>
        %add3A_68 = vector.broadcast %mul3A_61 : i32 to vector<16xi32>
        %add3A_69 = arith.addi %iota3A, %add3A_68 : vector<16xi32>
        %broadcast_in_dim3A = arith.constant 0.000000e+00 : f32
        %broadcast_in_dim3A_70 = vector.broadcast %broadcast_in_dim3A : f32 to vector<16xf32>
        %broadcast_in_dim3A_71 = arith.constant 0 : i32
        %broadcast_in_dim3A_72 = vector.broadcast %broadcast_in_dim3A_71 : i32 to vector<16xi32>
        %gather3A_73 = tpu.vector_load_idx %arg11[%add3A_69, %broadcast_in_dim3A_72] : memref<128x64xf32, #tpu.memory_space<vmem>>[vector<16xi32>, vector<16xi32>], vector<16xf32>,
        %gather3A_74 = tpu.vector_load_idx %arg12[%add3A_69, %broadcast_in_dim3A_72] : memref<128x64xf32, #tpu.memory_space<vmem>>[vector<16xi32>, vector<16xi32>], vector<16xf32>,
        %mul3A_75 = arith.mulf %gather3A_73, %gather3A_74 : vector<16xf32>
        %add3A_76 = arith.addf %broadcast_in_dim3A_70, %mul3A_75 : vector<16xf32>
        %broadcast_in_dim3A_77 = arith.constant 1 : i32
        %broadcast_in_dim3A_78 = vector.broadcast %broadcast_in_dim3A_77 : i32 to vector<16xi32>
        %gather3A_79 = tpu.vector_load_idx %arg11[%add3A_69, %broadcast_in_dim3A_78] : memref<128x64xf32, #tpu.memory_space<vmem>>[vector<16xi32>, vector<16xi32>], vector<16xf32>,
        %gather3A_80 = tpu.vector_load_idx %arg12[%add3A_69, %broadcast_in_dim3A_78] : memref<128x64xf32, #tpu.memory_space<vmem>>[vector<16xi32>, vector<16xi32>], vector<16xf32>,
        %mul3A_81 = arith.mulf %gather3A_79, %gather3A_80 : vector<16xf32>
        %add3A_82 = arith.addf %add3A_76, %mul3A_81 : vector<16xf32>
        %broadcast_in_dim3A_83 = arith.constant 2 : i32
        %broadcast_in_dim3A_84 = vector.broadcast %broadcast_in_dim3A_83 : i32 to vector<16xi32>
        %gather3A_85 = tpu.vector_load_idx %arg11[%add3A_69, %broadcast_in_dim3A_84] : memref<128x64xf32, #tpu.memory_space<vmem>>[vector<16xi32>, vector<16xi32>], vector<16xf32>,
        %gather3A_86 = tpu.vector_load_idx %arg12[%add3A_69, %broadcast_in_dim3A_84] : memref<128x64xf32, #tpu.memory_space<vmem>>[vector<16xi32>, vector<16xi32>], vector<16xf32>,
        %mul3A_87 = arith.mulf %gather3A_85, %gather3A_86 : vector<16xf32>
        %add3A_88 = arith.addf %add3A_82, %mul3A_87 : vector<16xf32>
        %broadcast_in_dim3A_89 = arith.constant 3 : i32
        %broadcast_in_dim3A_90 = vector.broadcast %broadcast_in_dim3A_89 : i32 to vector<16xi32>
        %gather3A_91 = tpu.vector_load_idx %arg11[%add3A_69, %broadcast_in_dim3A_90] : memref<128x64xf32, #tpu.memory_space<vmem>>[vector<16xi32>, vector<16xi32>], vector<16xf32>,
        %gather3A_92 = tpu.vector_load_idx %arg12[%add3A_69, %broadcast_in_dim3A_90] : memref<128x64xf32, #tpu.memory_space<vmem>>[vector<16xi32>, vector<16xi32>], vector<16xf32>,
        %mul3A_93 = arith.mulf %gather3A_91, %gather3A_92 : vector<16xf32>
        %add3A_94 = arith.addf %add3A_88, %mul3A_93 : vector<16xf32>
        %broadcast_in_dim3A_95 = arith.constant 4 : i32
        %broadcast_in_dim3A_96 = vector.broadcast %broadcast_in_dim3A_95 : i32 to vector<16xi32>
        %gather3A_97 = tpu.vector_load_idx %arg11[%add3A_69, %broadcast_in_dim3A_96] : memref<128x64xf32, #tpu.memory_space<vmem>>[vector<16xi32>, vector<16xi32>], vector<16xf32>,
        %gather3A_98 = tpu.vector_load_idx %arg12[%add3A_69, %broadcast_in_dim3A_96] : memref<128x64xf32, #tpu.memory_space<vmem>>[vector<16xi32>, vector<16xi32>], vector<16xf32>,
        %mul3A_99 = arith.mulf %gather3A_97, %gather3A_98 : vector<16xf32>
        %add3A_100 = arith.addf %add3A_94, %mul3A_99 : vector<16xf32>
        %broadcast_in_dim3A_101 = arith.constant 5 : i32
        %broadcast_in_dim3A_102 = vector.broadcast %broadcast_in_dim3A_101 : i32 to vector<16xi32>
        %gather3A_103 = tpu.vector_load_idx %arg11[%add3A_69, %broadcast_in_dim3A_102] : memref<128x64xf32, #tpu.memory_space<vmem>>[vector<16xi32>, vector<16xi32>], vector<16xf32>,
        %gather3A_104 = tpu.vector_load_idx %arg12[%add3A_69, %broadcast_in_dim3A_102] : memref<128x64xf32, #tpu.memory_space<vmem>>[vector<16xi32>, vector<16xi32>], vector<16xf32>,
        %mul3A_105 = arith.mulf %gather3A_103, %gather3A_104 : vector<16xf32>
        %add3A_106 = arith.addf %add3A_100, %mul3A_105 : vector<16xf32>
        %broadcast_in_dim3A_107 = arith.constant 6 : i32
        %broadcast_in_dim3A_108 = vector.broadcast %broadcast_in_dim3A_107 : i32 to vector<16xi32>
        %gather3A_109 = tpu.vector_load_idx %arg11[%add3A_69, %broadcast_in_dim3A_108] : memref<128x64xf32, #tpu.memory_space<vmem>>[vector<16xi32>, vector<16xi32>], vector<16xf32>,
        %gather3A_110 = tpu.vector_load_idx %arg12[%add3A_69, %broadcast_in_dim3A_108] : memref<128x64xf32, #tpu.memory_space<vmem>>[vector<16xi32>, vector<16xi32>], vector<16xf32>,
        %mul3A_111 = arith.mulf %gather3A_109, %gather3A_110 : vector<16xf32>
        %add3A_112 = arith.addf %add3A_106, %mul3A_111 : vector<16xf32>
        %broadcast_in_dim3A_113 = arith.constant 7 : i32
        %broadcast_in_dim3A_114 = vector.broadcast %broadcast_in_dim3A_113 : i32 to vector<16xi32>
        %gather3A_115 = tpu.vector_load_idx %arg11[%add3A_69, %broadcast_in_dim3A_114] : memref<128x64xf32, #tpu.memory_space<vmem>>[vector<16xi32>, vector<16xi32>], vector<16xf32>,
        %gather3A_116 = tpu.vector_load_idx %arg12[%add3A_69, %broadcast_in_dim3A_114] : memref<128x64xf32, #tpu.memory_space<vmem>>[vector<16xi32>, vector<16xi32>], vector<16xf32>,
        %mul3A_117 = arith.mulf %gather3A_115, %gather3A_116 : vector<16xf32>
        %add3A_118 = arith.addf %add3A_112, %mul3A_117 : vector<16xf32>
        %broadcast_in_dim3A_119 = arith.constant 8 : i32
        %broadcast_in_dim3A_120 = vector.broadcast %broadcast_in_dim3A_119 : i32 to vector<16xi32>
        %gather3A_121 = tpu.vector_load_idx %arg11[%add3A_69, %broadcast_in_dim3A_120] : memref<128x64xf32, #tpu.memory_space<vmem>>[vector<16xi32>, vector<16xi32>], vector<16xf32>,
        %gather3A_122 = tpu.vector_load_idx %arg12[%add3A_69, %broadcast_in_dim3A_120] : memref<128x64xf32, #tpu.memory_space<vmem>>[vector<16xi32>, vector<16xi32>], vector<16xf32>,
        %mul3A_123 = arith.mulf %gather3A_121, %gather3A_122 : vector<16xf32>
        %add3A_124 = arith.addf %add3A_118, %mul3A_123 : vector<16xf32>
        %broadcast_in_dim3A_125 = arith.constant 9 : i32
        %broadcast_in_dim3A_126 = vector.broadcast %broadcast_in_dim3A_125 : i32 to vector<16xi32>
        %gather3A_127 = tpu.vector_load_idx %arg11[%add3A_69, %broadcast_in_dim3A_126] : memref<128x64xf32, #tpu.memory_space<vmem>>[vector<16xi32>, vector<16xi32>], vector<16xf32>,
        %gather3A_128 = tpu.vector_load_idx %arg12[%add3A_69, %broadcast_in_dim3A_126] : memref<128x64xf32, #tpu.memory_space<vmem>>[vector<16xi32>, vector<16xi32>], vector<16xf32>,
        %mul3A_129 = arith.mulf %gather3A_127, %gather3A_128 : vector<16xf32>
        %add3A_130 = arith.addf %add3A_124, %mul3A_129 : vector<16xf32>
        %broadcast_in_dim3A_131 = arith.constant 10 : i32
        %broadcast_in_dim3A_132 = vector.broadcast %broadcast_in_dim3A_131 : i32 to vector<16xi32>
        %gather3A_133 = tpu.vector_load_idx %arg11[%add3A_69, %broadcast_in_dim3A_132] : memref<128x64xf32, #tpu.memory_space<vmem>>[vector<16xi32>, vector<16xi32>], vector<16xf32>,
        %gather3A_134 = tpu.vector_load_idx %arg12[%add3A_69, %broadcast_in_dim3A_132] : memref<128x64xf32, #tpu.memory_space<vmem>>[vector<16xi32>, vector<16xi32>], vector<16xf32>,
        %mul3A_135 = arith.mulf %gather3A_133, %gather3A_134 : vector<16xf32>
        %add3A_136 = arith.addf %add3A_130, %mul3A_135 : vector<16xf32>
        %broadcast_in_dim3A_137 = arith.constant 11 : i32
        %broadcast_in_dim3A_138 = vector.broadcast %broadcast_in_dim3A_137 : i32 to vector<16xi32>
        %gather3A_139 = tpu.vector_load_idx %arg11[%add3A_69, %broadcast_in_dim3A_138] : memref<128x64xf32, #tpu.memory_space<vmem>>[vector<16xi32>, vector<16xi32>], vector<16xf32>,
        %gather3A_140 = tpu.vector_load_idx %arg12[%add3A_69, %broadcast_in_dim3A_138] : memref<128x64xf32, #tpu.memory_space<vmem>>[vector<16xi32>, vector<16xi32>], vector<16xf32>,
        %mul3A_141 = arith.mulf %gather3A_139, %gather3A_140 : vector<16xf32>
        %add3A_142 = arith.addf %add3A_136, %mul3A_141 : vector<16xf32>
        %broadcast_in_dim3A_143 = arith.constant 12 : i32
        %broadcast_in_dim3A_144 = vector.broadcast %broadcast_in_dim3A_143 : i32 to vector<16xi32>
        %gather3A_145 = tpu.vector_load_idx %arg11[%add3A_69, %broadcast_in_dim3A_144] : memref<128x64xf32, #tpu.memory_space<vmem>>[vector<16xi32>, vector<16xi32>], vector<16xf32>,
        %gather3A_146 = tpu.vector_load_idx %arg12[%add3A_69, %broadcast_in_dim3A_144] : memref<128x64xf32, #tpu.memory_space<vmem>>[vector<16xi32>, vector<16xi32>], vector<16xf32>,
        %mul3A_147 = arith.mulf %gather3A_145, %gather3A_146 : vector<16xf32>
        %add3A_148 = arith.addf %add3A_142, %mul3A_147 : vector<16xf32>
        %broadcast_in_dim3A_149 = arith.constant 13 : i32
        %broadcast_in_dim3A_150 = vector.broadcast %broadcast_in_dim3A_149 : i32 to vector<16xi32>
        %gather3A_151 = tpu.vector_load_idx %arg11[%add3A_69, %broadcast_in_dim3A_150] : memref<128x64xf32, #tpu.memory_space<vmem>>[vector<16xi32>, vector<16xi32>], vector<16xf32>,
        %gather3A_152 = tpu.vector_load_idx %arg12[%add3A_69, %broadcast_in_dim3A_150] : memref<128x64xf32, #tpu.memory_space<vmem>>[vector<16xi32>, vector<16xi32>], vector<16xf32>,
        %mul3A_153 = arith.mulf %gather3A_151, %gather3A_152 : vector<16xf32>
        %add3A_154 = arith.addf %add3A_148, %mul3A_153 : vector<16xf32>
        %broadcast_in_dim3A_155 = arith.constant 14 : i32
        %broadcast_in_dim3A_156 = vector.broadcast %broadcast_in_dim3A_155 : i32 to vector<16xi32>
        %gather3A_157 = tpu.vector_load_idx %arg11[%add3A_69, %broadcast_in_dim3A_156] : memref<128x64xf32, #tpu.memory_space<vmem>>[vector<16xi32>, vector<16xi32>], vector<16xf32>,
        %gather3A_158 = tpu.vector_load_idx %arg12[%add3A_69, %broadcast_in_dim3A_156] : memref<128x64xf32, #tpu.memory_space<vmem>>[vector<16xi32>, vector<16xi32>], vector<16xf32>,
        %mul3A_159 = arith.mulf %gather3A_157, %gather3A_158 : vector<16xf32>
        %add3A_160 = arith.addf %add3A_154, %mul3A_159 : vector<16xf32>
        %broadcast_in_dim3A_161 = arith.constant 15 : i32
        %broadcast_in_dim3A_162 = vector.broadcast %broadcast_in_dim3A_161 : i32 to vector<16xi32>
        %gather3A_163 = tpu.vector_load_idx %arg11[%add3A_69, %broadcast_in_dim3A_162] : memref<128x64xf32, #tpu.memory_space<vmem>>[vector<16xi32>, vector<16xi32>], vector<16xf32>,
        %gather3A_164 = tpu.vector_load_idx %arg12[%add3A_69, %broadcast_in_dim3A_162] : memref<128x64xf32, #tpu.memory_space<vmem>>[vector<16xi32>, vector<16xi32>], vector<16xf32>,
        %mul3A_165 = arith.mulf %gather3A_163, %gather3A_164 : vector<16xf32>
        %add3A_166 = arith.addf %add3A_160, %mul3A_165 : vector<16xf32>
        %broadcast_in_dim3A_167 = arith.constant 16 : i32
        %broadcast_in_dim3A_168 = vector.broadcast %broadcast_in_dim3A_167 : i32 to vector<16xi32>
        %gather3A_169 = tpu.vector_load_idx %arg11[%add3A_69, %broadcast_in_dim3A_168] : memref<128x64xf32, #tpu.memory_space<vmem>>[vector<16xi32>, vector<16xi32>], vector<16xf32>,
        %gather3A_170 = tpu.vector_load_idx %arg12[%add3A_69, %broadcast_in_dim3A_168] : memref<128x64xf32, #tpu.memory_space<vmem>>[vector<16xi32>, vector<16xi32>], vector<16xf32>,
        %mul3A_171 = arith.mulf %gather3A_169, %gather3A_170 : vector<16xf32>
        %add3A_172 = arith.addf %add3A_166, %mul3A_171 : vector<16xf32>
        %broadcast_in_dim3A_173 = arith.constant 17 : i32
        %broadcast_in_dim3A_174 = vector.broadcast %broadcast_in_dim3A_173 : i32 to vector<16xi32>
        %gather3A_175 = tpu.vector_load_idx %arg11[%add3A_69, %broadcast_in_dim3A_174] : memref<128x64xf32, #tpu.memory_space<vmem>>[vector<16xi32>, vector<16xi32>], vector<16xf32>,
        %gather3A_176 = tpu.vector_load_idx %arg12[%add3A_69, %broadcast_in_dim3A_174] : memref<128x64xf32, #tpu.memory_space<vmem>>[vector<16xi32>, vector<16xi32>], vector<16xf32>,
        %mul3A_177 = arith.mulf %gather3A_175, %gather3A_176 : vector<16xf32>
        %add3A_178 = arith.addf %add3A_172, %mul3A_177 : vector<16xf32>
        %broadcast_in_dim3A_179 = arith.constant 18 : i32
        %broadcast_in_dim3A_180 = vector.broadcast %broadcast_in_dim3A_179 : i32 to vector<16xi32>
        %gather3A_181 = tpu.vector_load_idx %arg11[%add3A_69, %broadcast_in_dim3A_180] : memref<128x64xf32, #tpu.memory_space<vmem>>[vector<16xi32>, vector<16xi32>], vector<16xf32>,
        %gather3A_182 = tpu.vector_load_idx %arg12[%add3A_69, %broadcast_in_dim3A_180] : memref<128x64xf32, #tpu.memory_space<vmem>>[vector<16xi32>, vector<16xi32>], vector<16xf32>,
        %mul3A_183 = arith.mulf %gather3A_181, %gather3A_182 : vector<16xf32>
        %add3A_184 = arith.addf %add3A_178, %mul3A_183 : vector<16xf32>
        %broadcast_in_dim3A_185 = arith.constant 19 : i32
        %broadcast_in_dim3A_186 = vector.broadcast %broadcast_in_dim3A_185 : i32 to vector<16xi32>
        %gather3A_187 = tpu.vector_load_idx %arg11[%add3A_69, %broadcast_in_dim3A_186] : memref<128x64xf32, #tpu.memory_space<vmem>>[vector<16xi32>, vector<16xi32>], vector<16xf32>,
        %gather3A_188 = tpu.vector_load_idx %arg12[%add3A_69, %broadcast_in_dim3A_186] : memref<128x64xf32, #tpu.memory_space<vmem>>[vector<16xi32>, vector<16xi32>], vector<16xf32>,
        %mul3A_189 = arith.mulf %gather3A_187, %gather3A_188 : vector<16xf32>
        %add3A_190 = arith.addf %add3A_184, %mul3A_189 : vector<16xf32>
        %broadcast_in_dim3A_191 = arith.constant 20 : i32
        %broadcast_in_dim3A_192 = vector.broadcast %broadcast_in_dim3A_191 : i32 to vector<16xi32>
        %gather3A_193 = tpu.vector_load_idx %arg11[%add3A_69, %broadcast_in_dim3A_192] : memref<128x64xf32, #tpu.memory_space<vmem>>[vector<16xi32>, vector<16xi32>], vector<16xf32>,
        %gather3A_194 = tpu.vector_load_idx %arg12[%add3A_69, %broadcast_in_dim3A_192] : memref<128x64xf32, #tpu.memory_space<vmem>>[vector<16xi32>, vector<16xi32>], vector<16xf32>,
        %mul3A_195 = arith.mulf %gather3A_193, %gather3A_194 : vector<16xf32>
        %add3A_196 = arith.addf %add3A_190, %mul3A_195 : vector<16xf32>
        %broadcast_in_dim3A_197 = arith.constant 21 : i32
        %broadcast_in_dim3A_198 = vector.broadcast %broadcast_in_dim3A_197 : i32 to vector<16xi32>
        %gather3A_199 = tpu.vector_load_idx %arg11[%add3A_69, %broadcast_in_dim3A_198] : memref<128x64xf32, #tpu.memory_space<vmem>>[vector<16xi32>, vector<16xi32>], vector<16xf32>,
        %gather3A_200 = tpu.vector_load_idx %arg12[%add3A_69, %broadcast_in_dim3A_198] : memref<128x64xf32, #tpu.memory_space<vmem>>[vector<16xi32>, vector<16xi32>], vector<16xf32>,
        %mul3A_201 = arith.mulf %gather3A_199, %gather3A_200 : vector<16xf32>
        %add3A_202 = arith.addf %add3A_196, %mul3A_201 : vector<16xf32>
        %broadcast_in_dim3A_203 = arith.constant 22 : i32
        %broadcast_in_dim3A_204 = vector.broadcast %broadcast_in_dim3A_203 : i32 to vector<16xi32>
        %gather3A_205 = tpu.vector_load_idx %arg11[%add3A_69, %broadcast_in_dim3A_204] : memref<128x64xf32, #tpu.memory_space<vmem>>[vector<16xi32>, vector<16xi32>], vector<16xf32>,
        %gather3A_206 = tpu.vector_load_idx %arg12[%add3A_69, %broadcast_in_dim3A_204] : memref<128x64xf32, #tpu.memory_space<vmem>>[vector<16xi32>, vector<16xi32>], vector<16xf32>,
        %mul3A_207 = arith.mulf %gather3A_205, %gather3A_206 : vector<16xf32>
        %add3A_208 = arith.addf %add3A_202, %mul3A_207 : vector<16xf32>
        %broadcast_in_dim3A_209 = arith.constant 23 : i32
        %broadcast_in_dim3A_210 = vector.broadcast %broadcast_in_dim3A_209 : i32 to vector<16xi32>
        %gather3A_211 = tpu.vector_load_idx %arg11[%add3A_69, %broadcast_in_dim3A_210] : memref<128x64xf32, #tpu.memory_space<vmem>>[vector<16xi32>, vector<16xi32>], vector<16xf32>,
        %gather3A_212 = tpu.vector_load_idx %arg12[%add3A_69, %broadcast_in_dim3A_210] : memref<128x64xf32, #tpu.memory_space<vmem>>[vector<16xi32>, vector<16xi32>], vector<16xf32>,
        %mul3A_213 = arith.mulf %gather3A_211, %gather3A_212 : vector<16xf32>
        %add3A_214 = arith.addf %add3A_208, %mul3A_213 : vector<16xf32>
        %broadcast_in_dim3A_215 = arith.constant 24 : i32
        %broadcast_in_dim3A_216 = vector.broadcast %broadcast_in_dim3A_215 : i32 to vector<16xi32>
        %gather3A_217 = tpu.vector_load_idx %arg11[%add3A_69, %broadcast_in_dim3A_216] : memref<128x64xf32, #tpu.memory_space<vmem>>[vector<16xi32>, vector<16xi32>], vector<16xf32>,
        %gather3A_218 = tpu.vector_load_idx %arg12[%add3A_69, %broadcast_in_dim3A_216] : memref<128x64xf32, #tpu.memory_space<vmem>>[vector<16xi32>, vector<16xi32>], vector<16xf32>,
        %mul3A_219 = arith.mulf %gather3A_217, %gather3A_218 : vector<16xf32>
        %add3A_220 = arith.addf %add3A_214, %mul3A_219 : vector<16xf32>
        %broadcast_in_dim3A_221 = arith.constant 25 : i32
        %broadcast_in_dim3A_222 = vector.broadcast %broadcast_in_dim3A_221 : i32 to vector<16xi32>
        %gather3A_223 = tpu.vector_load_idx %arg11[%add3A_69, %broadcast_in_dim3A_222] : memref<128x64xf32, #tpu.memory_space<vmem>>[vector<16xi32>, vector<16xi32>], vector<16xf32>,
        %gather3A_224 = tpu.vector_load_idx %arg12[%add3A_69, %broadcast_in_dim3A_222] : memref<128x64xf32, #tpu.memory_space<vmem>>[vector<16xi32>, vector<16xi32>], vector<16xf32>,
        %mul3A_225 = arith.mulf %gather3A_223, %gather3A_224 : vector<16xf32>
        %add3A_226 = arith.addf %add3A_220, %mul3A_225 : vector<16xf32>
        %broadcast_in_dim3A_227 = arith.constant 26 : i32
        %broadcast_in_dim3A_228 = vector.broadcast %broadcast_in_dim3A_227 : i32 to vector<16xi32>
        %gather3A_229 = tpu.vector_load_idx %arg11[%add3A_69, %broadcast_in_dim3A_228] : memref<128x64xf32, #tpu.memory_space<vmem>>[vector<16xi32>, vector<16xi32>], vector<16xf32>,
        %gather3A_230 = tpu.vector_load_idx %arg12[%add3A_69, %broadcast_in_dim3A_228] : memref<128x64xf32, #tpu.memory_space<vmem>>[vector<16xi32>, vector<16xi32>], vector<16xf32>,
        %mul3A_231 = arith.mulf %gather3A_229, %gather3A_230 : vector<16xf32>
        %add3A_232 = arith.addf %add3A_226, %mul3A_231 : vector<16xf32>
        %broadcast_in_dim3A_233 = arith.constant 27 : i32
        %broadcast_in_dim3A_234 = vector.broadcast %broadcast_in_dim3A_233 : i32 to vector<16xi32>
        %gather3A_235 = tpu.vector_load_idx %arg11[%add3A_69, %broadcast_in_dim3A_234] : memref<128x64xf32, #tpu.memory_space<vmem>>[vector<16xi32>, vector<16xi32>], vector<16xf32>,
        %gather3A_236 = tpu.vector_load_idx %arg12[%add3A_69, %broadcast_in_dim3A_234] : memref<128x64xf32, #tpu.memory_space<vmem>>[vector<16xi32>, vector<16xi32>], vector<16xf32>,
        %mul3A_237 = arith.mulf %gather3A_235, %gather3A_236 : vector<16xf32>
        %add3A_238 = arith.addf %add3A_232, %mul3A_237 : vector<16xf32>
        %broadcast_in_dim3A_239 = arith.constant 28 : i32
        %broadcast_in_dim3A_240 = vector.broadcast %broadcast_in_dim3A_239 : i32 to vector<16xi32>
        %gather3A_241 = tpu.vector_load_idx %arg11[%add3A_69, %broadcast_in_dim3A_240] : memref<128x64xf32, #tpu.memory_space<vmem>>[vector<16xi32>, vector<16xi32>], vector<16xf32>,
        %gather3A_242 = tpu.vector_load_idx %arg12[%add3A_69, %broadcast_in_dim3A_240] : memref<128x64xf32, #tpu.memory_space<vmem>>[vector<16xi32>, vector<16xi32>], vector<16xf32>,
        %mul3A_243 = arith.mulf %gather3A_241, %gather3A_242 : vector<16xf32>
        %add3A_244 = arith.addf %add3A_238, %mul3A_243 : vector<16xf32>
        %broadcast_in_dim3A_245 = arith.constant 29 : i32
        %broadcast_in_dim3A_246 = vector.broadcast %broadcast_in_dim3A_245 : i32 to vector<16xi32>
        %gather3A_247 = tpu.vector_load_idx %arg11[%add3A_69, %broadcast_in_dim3A_246] : memref<128x64xf32, #tpu.memory_space<vmem>>[vector<16xi32>, vector<16xi32>], vector<16xf32>,
        %gather3A_248 = tpu.vector_load_idx %arg12[%add3A_69, %broadcast_in_dim3A_246] : memref<128x64xf32, #tpu.memory_space<vmem>>[vector<16xi32>, vector<16xi32>], vector<16xf32>,
        %mul3A_249 = arith.mulf %gather3A_247, %gather3A_248 : vector<16xf32>
        %add3A_250 = arith.addf %add3A_244, %mul3A_249 : vector<16xf32>
        %broadcast_in_dim3A_251 = arith.constant 30 : i32
        %broadcast_in_dim3A_252 = vector.broadcast %broadcast_in_dim3A_251 : i32 to vector<16xi32>
        %gather3A_253 = tpu.vector_load_idx %arg11[%add3A_69, %broadcast_in_dim3A_252] : memref<128x64xf32, #tpu.memory_space<vmem>>[vector<16xi32>, vector<16xi32>], vector<16xf32>,
        %gather3A_254 = tpu.vector_load_idx %arg12[%add3A_69, %broadcast_in_dim3A_252] : memref<128x64xf32, #tpu.memory_space<vmem>>[vector<16xi32>, vector<16xi32>], vector<16xf32>,
        %mul3A_255 = arith.mulf %gather3A_253, %gather3A_254 : vector<16xf32>
        %add3A_256 = arith.addf %add3A_250, %mul3A_255 : vector<16xf32>
        %broadcast_in_dim3A_257 = arith.constant 31 : i32
        %broadcast_in_dim3A_258 = vector.broadcast %broadcast_in_dim3A_257 : i32 to vector<16xi32>
        %gather3A_259 = tpu.vector_load_idx %arg11[%add3A_69, %broadcast_in_dim3A_258] : memref<128x64xf32, #tpu.memory_space<vmem>>[vector<16xi32>, vector<16xi32>], vector<16xf32>,
        %gather3A_260 = tpu.vector_load_idx %arg12[%add3A_69, %broadcast_in_dim3A_258] : memref<128x64xf32, #tpu.memory_space<vmem>>[vector<16xi32>, vector<16xi32>], vector<16xf32>,
        %mul3A_261 = arith.mulf %gather3A_259, %gather3A_260 : vector<16xf32>
        %add3A_262 = arith.addf %add3A_256, %mul3A_261 : vector<16xf32>
        %broadcast_in_dim3A_263 = arith.constant 32 : i32
        %broadcast_in_dim3A_264 = vector.broadcast %broadcast_in_dim3A_263 : i32 to vector<16xi32>
        %gather3A_265 = tpu.vector_load_idx %arg11[%add3A_69, %broadcast_in_dim3A_264] : memref<128x64xf32, #tpu.memory_space<vmem>>[vector<16xi32>, vector<16xi32>], vector<16xf32>,
        %gather3A_266 = tpu.vector_load_idx %arg12[%add3A_69, %broadcast_in_dim3A_264] : memref<128x64xf32, #tpu.memory_space<vmem>>[vector<16xi32>, vector<16xi32>], vector<16xf32>,
        %mul3A_267 = arith.mulf %gather3A_265, %gather3A_266 : vector<16xf32>
        %add3A_268 = arith.addf %add3A_262, %mul3A_267 : vector<16xf32>
        %broadcast_in_dim3A_269 = arith.constant 33 : i32
        %broadcast_in_dim3A_270 = vector.broadcast %broadcast_in_dim3A_269 : i32 to vector<16xi32>
        %gather3A_271 = tpu.vector_load_idx %arg11[%add3A_69, %broadcast_in_dim3A_270] : memref<128x64xf32, #tpu.memory_space<vmem>>[vector<16xi32>, vector<16xi32>], vector<16xf32>,
        %gather3A_272 = tpu.vector_load_idx %arg12[%add3A_69, %broadcast_in_dim3A_270] : memref<128x64xf32, #tpu.memory_space<vmem>>[vector<16xi32>, vector<16xi32>], vector<16xf32>,
        %mul3A_273 = arith.mulf %gather3A_271, %gather3A_272 : vector<16xf32>
        %add3A_274 = arith.addf %add3A_268, %mul3A_273 : vector<16xf32>
        %broadcast_in_dim3A_275 = arith.constant 34 : i32
        %broadcast_in_dim3A_276 = vector.broadcast %broadcast_in_dim3A_275 : i32 to vector<16xi32>
        %gather3A_277 = tpu.vector_load_idx %arg11[%add3A_69, %broadcast_in_dim3A_276] : memref<128x64xf32, #tpu.memory_space<vmem>>[vector<16xi32>, vector<16xi32>], vector<16xf32>,
        %gather3A_278 = tpu.vector_load_idx %arg12[%add3A_69, %broadcast_in_dim3A_276] : memref<128x64xf32, #tpu.memory_space<vmem>>[vector<16xi32>, vector<16xi32>], vector<16xf32>,
        %mul3A_279 = arith.mulf %gather3A_277, %gather3A_278 : vector<16xf32>
        %add3A_280 = arith.addf %add3A_274, %mul3A_279 : vector<16xf32>
        %broadcast_in_dim3A_281 = arith.constant 35 : i32
        %broadcast_in_dim3A_282 = vector.broadcast %broadcast_in_dim3A_281 : i32 to vector<16xi32>
        %gather3A_283 = tpu.vector_load_idx %arg11[%add3A_69, %broadcast_in_dim3A_282] : memref<128x64xf32, #tpu.memory_space<vmem>>[vector<16xi32>, vector<16xi32>], vector<16xf32>,
        %gather3A_284 = tpu.vector_load_idx %arg12[%add3A_69, %broadcast_in_dim3A_282] : memref<128x64xf32, #tpu.memory_space<vmem>>[vector<16xi32>, vector<16xi32>], vector<16xf32>,
        %mul3A_285 = arith.mulf %gather3A_283, %gather3A_284 : vector<16xf32>
        %add3A_286 = arith.addf %add3A_280, %mul3A_285 : vector<16xf32>
        %broadcast_in_dim3A_287 = arith.constant 36 : i32
        %broadcast_in_dim3A_288 = vector.broadcast %broadcast_in_dim3A_287 : i32 to vector<16xi32>
        %gather3A_289 = tpu.vector_load_idx %arg11[%add3A_69, %broadcast_in_dim3A_288] : memref<128x64xf32, #tpu.memory_space<vmem>>[vector<16xi32>, vector<16xi32>], vector<16xf32>,
        %gather3A_290 = tpu.vector_load_idx %arg12[%add3A_69, %broadcast_in_dim3A_288] : memref<128x64xf32, #tpu.memory_space<vmem>>[vector<16xi32>, vector<16xi32>], vector<16xf32>,
        %mul3A_291 = arith.mulf %gather3A_289, %gather3A_290 : vector<16xf32>
        %add3A_292 = arith.addf %add3A_286, %mul3A_291 : vector<16xf32>
        %broadcast_in_dim3A_293 = arith.constant 37 : i32
        %broadcast_in_dim3A_294 = vector.broadcast %broadcast_in_dim3A_293 : i32 to vector<16xi32>
        %gather3A_295 = tpu.vector_load_idx %arg11[%add3A_69, %broadcast_in_dim3A_294] : memref<128x64xf32, #tpu.memory_space<vmem>>[vector<16xi32>, vector<16xi32>], vector<16xf32>,
        %gather3A_296 = tpu.vector_load_idx %arg12[%add3A_69, %broadcast_in_dim3A_294] : memref<128x64xf32, #tpu.memory_space<vmem>>[vector<16xi32>, vector<16xi32>], vector<16xf32>,
        %mul3A_297 = arith.mulf %gather3A_295, %gather3A_296 : vector<16xf32>
        %add3A_298 = arith.addf %add3A_292, %mul3A_297 : vector<16xf32>
        %broadcast_in_dim3A_299 = arith.constant 38 : i32
        %broadcast_in_dim3A_300 = vector.broadcast %broadcast_in_dim3A_299 : i32 to vector<16xi32>
        %gather3A_301 = tpu.vector_load_idx %arg11[%add3A_69, %broadcast_in_dim3A_300] : memref<128x64xf32, #tpu.memory_space<vmem>>[vector<16xi32>, vector<16xi32>], vector<16xf32>,
        %gather3A_302 = tpu.vector_load_idx %arg12[%add3A_69, %broadcast_in_dim3A_300] : memref<128x64xf32, #tpu.memory_space<vmem>>[vector<16xi32>, vector<16xi32>], vector<16xf32>,
        %mul3A_303 = arith.mulf %gather3A_301, %gather3A_302 : vector<16xf32>
        %add3A_304 = arith.addf %add3A_298, %mul3A_303 : vector<16xf32>
        %broadcast_in_dim3A_305 = arith.constant 39 : i32
        %broadcast_in_dim3A_306 = vector.broadcast %broadcast_in_dim3A_305 : i32 to vector<16xi32>
        %gather3A_307 = tpu.vector_load_idx %arg11[%add3A_69, %broadcast_in_dim3A_306] : memref<128x64xf32, #tpu.memory_space<vmem>>[vector<16xi32>, vector<16xi32>], vector<16xf32>,
        %gather3A_308 = tpu.vector_load_idx %arg12[%add3A_69, %broadcast_in_dim3A_306] : memref<128x64xf32, #tpu.memory_space<vmem>>[vector<16xi32>, vector<16xi32>], vector<16xf32>,
        %mul3A_309 = arith.mulf %gather3A_307, %gather3A_308 : vector<16xf32>
        %add3A_310 = arith.addf %add3A_304, %mul3A_309 : vector<16xf32>
        %broadcast_in_dim3A_311 = arith.constant 40 : i32
        %broadcast_in_dim3A_312 = vector.broadcast %broadcast_in_dim3A_311 : i32 to vector<16xi32>
        %gather3A_313 = tpu.vector_load_idx %arg11[%add3A_69, %broadcast_in_dim3A_312] : memref<128x64xf32, #tpu.memory_space<vmem>>[vector<16xi32>, vector<16xi32>], vector<16xf32>,
        %gather3A_314 = tpu.vector_load_idx %arg12[%add3A_69, %broadcast_in_dim3A_312] : memref<128x64xf32, #tpu.memory_space<vmem>>[vector<16xi32>, vector<16xi32>], vector<16xf32>,
        %mul3A_315 = arith.mulf %gather3A_313, %gather3A_314 : vector<16xf32>
        %add3A_316 = arith.addf %add3A_310, %mul3A_315 : vector<16xf32>
        %broadcast_in_dim3A_317 = arith.constant 41 : i32
        %broadcast_in_dim3A_318 = vector.broadcast %broadcast_in_dim3A_317 : i32 to vector<16xi32>
        %gather3A_319 = tpu.vector_load_idx %arg11[%add3A_69, %broadcast_in_dim3A_318] : memref<128x64xf32, #tpu.memory_space<vmem>>[vector<16xi32>, vector<16xi32>], vector<16xf32>,
        %gather3A_320 = tpu.vector_load_idx %arg12[%add3A_69, %broadcast_in_dim3A_318] : memref<128x64xf32, #tpu.memory_space<vmem>>[vector<16xi32>, vector<16xi32>], vector<16xf32>,
        %mul3A_321 = arith.mulf %gather3A_319, %gather3A_320 : vector<16xf32>
        %add3A_322 = arith.addf %add3A_316, %mul3A_321 : vector<16xf32>
        %broadcast_in_dim3A_323 = arith.constant 42 : i32
        %broadcast_in_dim3A_324 = vector.broadcast %broadcast_in_dim3A_323 : i32 to vector<16xi32>
        %gather3A_325 = tpu.vector_load_idx %arg11[%add3A_69, %broadcast_in_dim3A_324] : memref<128x64xf32, #tpu.memory_space<vmem>>[vector<16xi32>, vector<16xi32>], vector<16xf32>,
        %gather3A_326 = tpu.vector_load_idx %arg12[%add3A_69, %broadcast_in_dim3A_324] : memref<128x64xf32, #tpu.memory_space<vmem>>[vector<16xi32>, vector<16xi32>], vector<16xf32>,
        %mul3A_327 = arith.mulf %gather3A_325, %gather3A_326 : vector<16xf32>
        %add3A_328 = arith.addf %add3A_322, %mul3A_327 : vector<16xf32>
        %broadcast_in_dim3A_329 = arith.constant 43 : i32
        %broadcast_in_dim3A_330 = vector.broadcast %broadcast_in_dim3A_329 : i32 to vector<16xi32>
        %gather3A_331 = tpu.vector_load_idx %arg11[%add3A_69, %broadcast_in_dim3A_330] : memref<128x64xf32, #tpu.memory_space<vmem>>[vector<16xi32>, vector<16xi32>], vector<16xf32>,
        %gather3A_332 = tpu.vector_load_idx %arg12[%add3A_69, %broadcast_in_dim3A_330] : memref<128x64xf32, #tpu.memory_space<vmem>>[vector<16xi32>, vector<16xi32>], vector<16xf32>,
        %mul3A_333 = arith.mulf %gather3A_331, %gather3A_332 : vector<16xf32>
        %add3A_334 = arith.addf %add3A_328, %mul3A_333 : vector<16xf32>
        %broadcast_in_dim3A_335 = arith.constant 44 : i32
        %broadcast_in_dim3A_336 = vector.broadcast %broadcast_in_dim3A_335 : i32 to vector<16xi32>
        %gather3A_337 = tpu.vector_load_idx %arg11[%add3A_69, %broadcast_in_dim3A_336] : memref<128x64xf32, #tpu.memory_space<vmem>>[vector<16xi32>, vector<16xi32>], vector<16xf32>,
        %gather3A_338 = tpu.vector_load_idx %arg12[%add3A_69, %broadcast_in_dim3A_336] : memref<128x64xf32, #tpu.memory_space<vmem>>[vector<16xi32>, vector<16xi32>], vector<16xf32>,
        %mul3A_339 = arith.mulf %gather3A_337, %gather3A_338 : vector<16xf32>
        %add3A_340 = arith.addf %add3A_334, %mul3A_339 : vector<16xf32>
        %broadcast_in_dim3A_341 = arith.constant 45 : i32
        %broadcast_in_dim3A_342 = vector.broadcast %broadcast_in_dim3A_341 : i32 to vector<16xi32>
        %gather3A_343 = tpu.vector_load_idx %arg11[%add3A_69, %broadcast_in_dim3A_342] : memref<128x64xf32, #tpu.memory_space<vmem>>[vector<16xi32>, vector<16xi32>], vector<16xf32>,
        %gather3A_344 = tpu.vector_load_idx %arg12[%add3A_69, %broadcast_in_dim3A_342] : memref<128x64xf32, #tpu.memory_space<vmem>>[vector<16xi32>, vector<16xi32>], vector<16xf32>,
        %mul3A_345 = arith.mulf %gather3A_343, %gather3A_344 : vector<16xf32>
        %add3A_346 = arith.addf %add3A_340, %mul3A_345 : vector<16xf32>
        %broadcast_in_dim3A_347 = arith.constant 46 : i32
        %broadcast_in_dim3A_348 = vector.broadcast %broadcast_in_dim3A_347 : i32 to vector<16xi32>
        %gather3A_349 = tpu.vector_load_idx %arg11[%add3A_69, %broadcast_in_dim3A_348] : memref<128x64xf32, #tpu.memory_space<vmem>>[vector<16xi32>, vector<16xi32>], vector<16xf32>,
        %gather3A_350 = tpu.vector_load_idx %arg12[%add3A_69, %broadcast_in_dim3A_348] : memref<128x64xf32, #tpu.memory_space<vmem>>[vector<16xi32>, vector<16xi32>], vector<16xf32>,
        %mul3A_351 = arith.mulf %gather3A_349, %gather3A_350 : vector<16xf32>
        %add3A_352 = arith.addf %add3A_346, %mul3A_351 : vector<16xf32>
        %broadcast_in_dim3A_353 = arith.constant 47 : i32
        %broadcast_in_dim3A_354 = vector.broadcast %broadcast_in_dim3A_353 : i32 to vector<16xi32>
        %gather3A_355 = tpu.vector_load_idx %arg11[%add3A_69, %broadcast_in_dim3A_354] : memref<128x64xf32, #tpu.memory_space<vmem>>[vector<16xi32>, vector<16xi32>], vector<16xf32>,
        %gather3A_356 = tpu.vector_load_idx %arg12[%add3A_69, %broadcast_in_dim3A_354] : memref<128x64xf32, #tpu.memory_space<vmem>>[vector<16xi32>, vector<16xi32>], vector<16xf32>,
        %mul3A_357 = arith.mulf %gather3A_355, %gather3A_356 : vector<16xf32>
        %add3A_358 = arith.addf %add3A_352, %mul3A_357 : vector<16xf32>
        %broadcast_in_dim3A_359 = arith.constant 48 : i32
        %broadcast_in_dim3A_360 = vector.broadcast %broadcast_in_dim3A_359 : i32 to vector<16xi32>
        %gather3A_361 = tpu.vector_load_idx %arg11[%add3A_69, %broadcast_in_dim3A_360] : memref<128x64xf32, #tpu.memory_space<vmem>>[vector<16xi32>, vector<16xi32>], vector<16xf32>,
        %gather3A_362 = tpu.vector_load_idx %arg12[%add3A_69, %broadcast_in_dim3A_360] : memref<128x64xf32, #tpu.memory_space<vmem>>[vector<16xi32>, vector<16xi32>], vector<16xf32>,
        %mul3A_363 = arith.mulf %gather3A_361, %gather3A_362 : vector<16xf32>
        %add3A_364 = arith.addf %add3A_358, %mul3A_363 : vector<16xf32>
        %broadcast_in_dim3A_365 = arith.constant 49 : i32
        %broadcast_in_dim3A_366 = vector.broadcast %broadcast_in_dim3A_365 : i32 to vector<16xi32>
        %gather3A_367 = tpu.vector_load_idx %arg11[%add3A_69, %broadcast_in_dim3A_366] : memref<128x64xf32, #tpu.memory_space<vmem>>[vector<16xi32>, vector<16xi32>], vector<16xf32>,
        %gather3A_368 = tpu.vector_load_idx %arg12[%add3A_69, %broadcast_in_dim3A_366] : memref<128x64xf32, #tpu.memory_space<vmem>>[vector<16xi32>, vector<16xi32>], vector<16xf32>,
        %mul3A_369 = arith.mulf %gather3A_367, %gather3A_368 : vector<16xf32>
        %add3A_370 = arith.addf %add3A_364, %mul3A_369 : vector<16xf32>
        %broadcast_in_dim3A_371 = arith.constant 50 : i32
        %broadcast_in_dim3A_372 = vector.broadcast %broadcast_in_dim3A_371 : i32 to vector<16xi32>
        %gather3A_373 = tpu.vector_load_idx %arg11[%add3A_69, %broadcast_in_dim3A_372] : memref<128x64xf32, #tpu.memory_space<vmem>>[vector<16xi32>, vector<16xi32>], vector<16xf32>,
        %gather3A_374 = tpu.vector_load_idx %arg12[%add3A_69, %broadcast_in_dim3A_372] : memref<128x64xf32, #tpu.memory_space<vmem>>[vector<16xi32>, vector<16xi32>], vector<16xf32>,
        %mul3A_375 = arith.mulf %gather3A_373, %gather3A_374 : vector<16xf32>
        %add3A_376 = arith.addf %add3A_370, %mul3A_375 : vector<16xf32>
        %broadcast_in_dim3A_377 = arith.constant 51 : i32
        %broadcast_in_dim3A_378 = vector.broadcast %broadcast_in_dim3A_377 : i32 to vector<16xi32>
        %gather3A_379 = tpu.vector_load_idx %arg11[%add3A_69, %broadcast_in_dim3A_378] : memref<128x64xf32, #tpu.memory_space<vmem>>[vector<16xi32>, vector<16xi32>], vector<16xf32>,
        %gather3A_380 = tpu.vector_load_idx %arg12[%add3A_69, %broadcast_in_dim3A_378] : memref<128x64xf32, #tpu.memory_space<vmem>>[vector<16xi32>, vector<16xi32>], vector<16xf32>,
        %mul3A_381 = arith.mulf %gather3A_379, %gather3A_380 : vector<16xf32>
        %add3A_382 = arith.addf %add3A_376, %mul3A_381 : vector<16xf32>
        %broadcast_in_dim3A_383 = arith.constant 52 : i32
        %broadcast_in_dim3A_384 = vector.broadcast %broadcast_in_dim3A_383 : i32 to vector<16xi32>
        %gather3A_385 = tpu.vector_load_idx %arg11[%add3A_69, %broadcast_in_dim3A_384] : memref<128x64xf32, #tpu.memory_space<vmem>>[vector<16xi32>, vector<16xi32>], vector<16xf32>,
        %gather3A_386 = tpu.vector_load_idx %arg12[%add3A_69, %broadcast_in_dim3A_384] : memref<128x64xf32, #tpu.memory_space<vmem>>[vector<16xi32>, vector<16xi32>], vector<16xf32>,
        %mul3A_387 = arith.mulf %gather3A_385, %gather3A_386 : vector<16xf32>
        %add3A_388 = arith.addf %add3A_382, %mul3A_387 : vector<16xf32>
        %broadcast_in_dim3A_389 = arith.constant 53 : i32
        %broadcast_in_dim3A_390 = vector.broadcast %broadcast_in_dim3A_389 : i32 to vector<16xi32>
        %gather3A_391 = tpu.vector_load_idx %arg11[%add3A_69, %broadcast_in_dim3A_390] : memref<128x64xf32, #tpu.memory_space<vmem>>[vector<16xi32>, vector<16xi32>], vector<16xf32>,
        %gather3A_392 = tpu.vector_load_idx %arg12[%add3A_69, %broadcast_in_dim3A_390] : memref<128x64xf32, #tpu.memory_space<vmem>>[vector<16xi32>, vector<16xi32>], vector<16xf32>,
        %mul3A_393 = arith.mulf %gather3A_391, %gather3A_392 : vector<16xf32>
        %add3A_394 = arith.addf %add3A_388, %mul3A_393 : vector<16xf32>
        %broadcast_in_dim3A_395 = arith.constant 54 : i32
        %broadcast_in_dim3A_396 = vector.broadcast %broadcast_in_dim3A_395 : i32 to vector<16xi32>
        %gather3A_397 = tpu.vector_load_idx %arg11[%add3A_69, %broadcast_in_dim3A_396] : memref<128x64xf32, #tpu.memory_space<vmem>>[vector<16xi32>, vector<16xi32>], vector<16xf32>,
        %gather3A_398 = tpu.vector_load_idx %arg12[%add3A_69, %broadcast_in_dim3A_396] : memref<128x64xf32, #tpu.memory_space<vmem>>[vector<16xi32>, vector<16xi32>], vector<16xf32>,
        %mul3A_399 = arith.mulf %gather3A_397, %gather3A_398 : vector<16xf32>
        %add3A_400 = arith.addf %add3A_394, %mul3A_399 : vector<16xf32>
        %broadcast_in_dim3A_401 = arith.constant 55 : i32
        %broadcast_in_dim3A_402 = vector.broadcast %broadcast_in_dim3A_401 : i32 to vector<16xi32>
        %gather3A_403 = tpu.vector_load_idx %arg11[%add3A_69, %broadcast_in_dim3A_402] : memref<128x64xf32, #tpu.memory_space<vmem>>[vector<16xi32>, vector<16xi32>], vector<16xf32>,
        %gather3A_404 = tpu.vector_load_idx %arg12[%add3A_69, %broadcast_in_dim3A_402] : memref<128x64xf32, #tpu.memory_space<vmem>>[vector<16xi32>, vector<16xi32>], vector<16xf32>,
        %mul3A_405 = arith.mulf %gather3A_403, %gather3A_404 : vector<16xf32>
        %add3A_406 = arith.addf %add3A_400, %mul3A_405 : vector<16xf32>
        %broadcast_in_dim3A_407 = arith.constant 56 : i32
        %broadcast_in_dim3A_408 = vector.broadcast %broadcast_in_dim3A_407 : i32 to vector<16xi32>
        %gather3A_409 = tpu.vector_load_idx %arg11[%add3A_69, %broadcast_in_dim3A_408] : memref<128x64xf32, #tpu.memory_space<vmem>>[vector<16xi32>, vector<16xi32>], vector<16xf32>,
        %gather3A_410 = tpu.vector_load_idx %arg12[%add3A_69, %broadcast_in_dim3A_408] : memref<128x64xf32, #tpu.memory_space<vmem>>[vector<16xi32>, vector<16xi32>], vector<16xf32>,
        %mul3A_411 = arith.mulf %gather3A_409, %gather3A_410 : vector<16xf32>
        %add3A_412 = arith.addf %add3A_406, %mul3A_411 : vector<16xf32>
        %broadcast_in_dim3A_413 = arith.constant 57 : i32
        %broadcast_in_dim3A_414 = vector.broadcast %broadcast_in_dim3A_413 : i32 to vector<16xi32>
        %gather3A_415 = tpu.vector_load_idx %arg11[%add3A_69, %broadcast_in_dim3A_414] : memref<128x64xf32, #tpu.memory_space<vmem>>[vector<16xi32>, vector<16xi32>], vector<16xf32>,
        %gather3A_416 = tpu.vector_load_idx %arg12[%add3A_69, %broadcast_in_dim3A_414] : memref<128x64xf32, #tpu.memory_space<vmem>>[vector<16xi32>, vector<16xi32>], vector<16xf32>,
        %mul3A_417 = arith.mulf %gather3A_415, %gather3A_416 : vector<16xf32>
        %add3A_418 = arith.addf %add3A_412, %mul3A_417 : vector<16xf32>
        %broadcast_in_dim3A_419 = arith.constant 58 : i32
        %broadcast_in_dim3A_420 = vector.broadcast %broadcast_in_dim3A_419 : i32 to vector<16xi32>
        %gather3A_421 = tpu.vector_load_idx %arg11[%add3A_69, %broadcast_in_dim3A_420] : memref<128x64xf32, #tpu.memory_space<vmem>>[vector<16xi32>, vector<16xi32>], vector<16xf32>,
        %gather3A_422 = tpu.vector_load_idx %arg12[%add3A_69, %broadcast_in_dim3A_420] : memref<128x64xf32, #tpu.memory_space<vmem>>[vector<16xi32>, vector<16xi32>], vector<16xf32>,
        %mul3A_423 = arith.mulf %gather3A_421, %gather3A_422 : vector<16xf32>
        %add3A_424 = arith.addf %add3A_418, %mul3A_423 : vector<16xf32>
        %broadcast_in_dim3A_425 = arith.constant 59 : i32
        %broadcast_in_dim3A_426 = vector.broadcast %broadcast_in_dim3A_425 : i32 to vector<16xi32>
        %gather3A_427 = tpu.vector_load_idx %arg11[%add3A_69, %broadcast_in_dim3A_426] : memref<128x64xf32, #tpu.memory_space<vmem>>[vector<16xi32>, vector<16xi32>], vector<16xf32>,
        %gather3A_428 = tpu.vector_load_idx %arg12[%add3A_69, %broadcast_in_dim3A_426] : memref<128x64xf32, #tpu.memory_space<vmem>>[vector<16xi32>, vector<16xi32>], vector<16xf32>,
        %mul3A_429 = arith.mulf %gather3A_427, %gather3A_428 : vector<16xf32>
        %add3A_430 = arith.addf %add3A_424, %mul3A_429 : vector<16xf32>
        %broadcast_in_dim3A_431 = arith.constant 60 : i32
        %broadcast_in_dim3A_432 = vector.broadcast %broadcast_in_dim3A_431 : i32 to vector<16xi32>
        %gather3A_433 = tpu.vector_load_idx %arg11[%add3A_69, %broadcast_in_dim3A_432] : memref<128x64xf32, #tpu.memory_space<vmem>>[vector<16xi32>, vector<16xi32>], vector<16xf32>,
        %gather3A_434 = tpu.vector_load_idx %arg12[%add3A_69, %broadcast_in_dim3A_432] : memref<128x64xf32, #tpu.memory_space<vmem>>[vector<16xi32>, vector<16xi32>], vector<16xf32>,
        %mul3A_435 = arith.mulf %gather3A_433, %gather3A_434 : vector<16xf32>
        %add3A_436 = arith.addf %add3A_430, %mul3A_435 : vector<16xf32>
        %broadcast_in_dim3A_437 = arith.constant 61 : i32
        %broadcast_in_dim3A_438 = vector.broadcast %broadcast_in_dim3A_437 : i32 to vector<16xi32>
        %gather3A_439 = tpu.vector_load_idx %arg11[%add3A_69, %broadcast_in_dim3A_438] : memref<128x64xf32, #tpu.memory_space<vmem>>[vector<16xi32>, vector<16xi32>], vector<16xf32>,
        %gather3A_440 = tpu.vector_load_idx %arg12[%add3A_69, %broadcast_in_dim3A_438] : memref<128x64xf32, #tpu.memory_space<vmem>>[vector<16xi32>, vector<16xi32>], vector<16xf32>,
        %mul3A_441 = arith.mulf %gather3A_439, %gather3A_440 : vector<16xf32>
        %add3A_442 = arith.addf %add3A_436, %mul3A_441 : vector<16xf32>
        %broadcast_in_dim3A_443 = arith.constant 62 : i32
        %broadcast_in_dim3A_444 = vector.broadcast %broadcast_in_dim3A_443 : i32 to vector<16xi32>
        %gather3A_445 = tpu.vector_load_idx %arg11[%add3A_69, %broadcast_in_dim3A_444] : memref<128x64xf32, #tpu.memory_space<vmem>>[vector<16xi32>, vector<16xi32>], vector<16xf32>,
        %gather3A_446 = tpu.vector_load_idx %arg12[%add3A_69, %broadcast_in_dim3A_444] : memref<128x64xf32, #tpu.memory_space<vmem>>[vector<16xi32>, vector<16xi32>], vector<16xf32>,
        %mul3A_447 = arith.mulf %gather3A_445, %gather3A_446 : vector<16xf32>
        %add3A_448 = arith.addf %add3A_442, %mul3A_447 : vector<16xf32>
        %broadcast_in_dim3A_449 = arith.constant 63 : i32
        %broadcast_in_dim3A_450 = vector.broadcast %broadcast_in_dim3A_449 : i32 to vector<16xi32>
        %gather3A_451 = tpu.vector_load_idx %arg11[%add3A_69, %broadcast_in_dim3A_450] : memref<128x64xf32, #tpu.memory_space<vmem>>[vector<16xi32>, vector<16xi32>], vector<16xf32>,
        %gather3A_452 = tpu.vector_load_idx %arg12[%add3A_69, %broadcast_in_dim3A_450] : memref<128x64xf32, #tpu.memory_space<vmem>>[vector<16xi32>, vector<16xi32>], vector<16xf32>,
        %mul3A_453 = arith.mulf %gather3A_451, %gather3A_452 : vector<16xf32>
        %add3A_454 = arith.addf %add3A_448, %mul3A_453 : vector<16xf32>
        %swap3A_455 = arith.index_cast %mul3A_61 : i32 to index
        %swap3A_456 = tpu.vector_load %arg14[%swap3A_455] {strides = array<i32>} : memref<128xf32, #tpu.memory_space<vmem>>, vector<16xf32>,
        tpu.vector_store %arg14[%swap3A_455], %add3A_454 {strides = array<i32>} : memref<128xf32, #tpu.memory_space<vmem>>, vector<16xf32>,
        %scan3A_457 = arith.constant 0 : i32
        scf.yield %scan3A_457 : i32
      }
      %scan3A_56 = arith.constant 8 : i32
      "tpu.region"() ({
        %run_scoped3A = tpu.sem_alloc : memref<!tpu.dma_semaphore, #tpu.memory_space<semaphore_mem>>
        %dma_start3A_58 = tpu.memref_slice %arg6[%mul3A_40] : memref<160000xf32, #tpu.memory_space<hbm>> -> memref<128xf32, #tpu.memory_space<hbm>>
        %dma_start3A_59 = tpu.memref_slice %arg6[%mul3A_40] : memref<160000xf32, #tpu.memory_space<hbm>> -> memref<128xf32, #tpu.memory_space<hbm>>
        tpu.enqueue_dma source(%arg13 : memref<128xf32, #tpu.memory_space<vmem>>) target(%dma_start3A_59 : memref<128xf32, #tpu.memory_space<hbm>>) target_semaphore(%run_scoped3A : memref<!tpu.dma_semaphore, #tpu.memory_space<semaphore_mem>>)
        %dma_wait3A_60 = tpu.memref_slice %arg6[%mul3A_40] : memref<160000xf32, #tpu.memory_space<hbm>> -> memref<128xf32, #tpu.memory_space<hbm>>
        %dma_wait3A_61 = tpu.memref_slice %arg6[%mul3A_40] : memref<160000xf32, #tpu.memory_space<hbm>> -> memref<128xf32, #tpu.memory_space<hbm>>
        tpu.wait_dma2 semaphore(%run_scoped3A : memref<!tpu.dma_semaphore, #tpu.memory_space<semaphore_mem>>) src(%arg13 : memref<128xf32, #tpu.memory_space<vmem>>) dst(%dma_wait3A_61 : memref<128xf32, #tpu.memory_space<hbm>>)
        tpu.yield
      }) : () -> ()
      "tpu.region"() ({
        %run_scoped3A = tpu.sem_alloc : memref<!tpu.dma_semaphore, #tpu.memory_space<semaphore_mem>>
        %dma_start3A_58 = tpu.memref_slice %arg7[%mul3A_40] : memref<160000xf32, #tpu.memory_space<hbm>> -> memref<128xf32, #tpu.memory_space<hbm>>
        %dma_start3A_59 = tpu.memref_slice %arg7[%mul3A_40] : memref<160000xf32, #tpu.memory_space<hbm>> -> memref<128xf32, #tpu.memory_space<hbm>>
        tpu.enqueue_dma source(%arg14 : memref<128xf32, #tpu.memory_space<vmem>>) target(%dma_start3A_59 : memref<128xf32, #tpu.memory_space<hbm>>) target_semaphore(%run_scoped3A : memref<!tpu.dma_semaphore, #tpu.memory_space<semaphore_mem>>)
        %dma_wait3A_60 = tpu.memref_slice %arg7[%mul3A_40] : memref<160000xf32, #tpu.memory_space<hbm>> -> memref<128xf32, #tpu.memory_space<hbm>>
        %dma_wait3A_61 = tpu.memref_slice %arg7[%mul3A_40] : memref<160000xf32, #tpu.memory_space<hbm>> -> memref<128xf32, #tpu.memory_space<hbm>>
        tpu.wait_dma2 semaphore(%run_scoped3A : memref<!tpu.dma_semaphore, #tpu.memory_space<semaphore_mem>>) src(%arg14 : memref<128xf32, #tpu.memory_space<vmem>>) dst(%dma_wait3A_61 : memref<128xf32, #tpu.memory_space<hbm>>)
        tpu.yield
      }) : () -> ()
      %while3A_57 = arith.constant 0 : i32
      scf.yield %while3A_57 : i32
    }
    return
  }
}

module attributes {stable_mosaic.version = 14 : i64} {
  func.func @_scan_body(%arg0: i32, %arg1: memref<1x1xf32, #tpu.memory_space<smem>>, %arg2: memref<8x625xf32, #tpu.memory_space<vmem>>, %arg3: memref<8x625x50xf32, #tpu.memory_space<vmem>>, %arg4: memref<8x625x50xf32, #tpu.memory_space<vmem>>, %arg5: memref<8x625xf32, #tpu.memory_space<vmem>>) attributes {dimension_semantics = [#tpu.dimension_semantics<arbitrary>], iteration_bounds = array<i64: 32>, scalar_prefetch = 0 : i64, scratch_operands = 0 : i64, tpu.core_type = #tpu.core_type<tc>, window_params = [{transform_indices = @transform_0, window_bounds = array<i64: 1, 1>}, {transform_indices = @transform_1, window_bounds = array<i64: 8, 625>}, {transform_indices = @transform_2, window_bounds = array<i64: 8, 625, 50>}, {transform_indices = @transform_3, window_bounds = array<i64: 8, 625, 50>}, {transform_indices = @transform_4, window_bounds = array<i64: 8, 625>}]} {
    %get3A = arith.constant 0 : index
    %get3A_0 = arith.constant 0 : index
    %get3A_1 = vector.load %arg2[%get3A, %get3A_0] : memref<8x625xf32, #tpu.memory_space<vmem>>, vector<8x625xf32>
    %get3A_2 = arith.constant 0 : index
    %get3A_3 = arith.constant 0 : index
    %get3A_4 = arith.constant 0 : index
    %get3A_5 = vector.load %arg3[%get3A_2, %get3A_3, %get3A_4] : memref<8x625x50xf32, #tpu.memory_space<vmem>>, vector<8x625x50xf32>
    %get3A_6 = arith.constant 0 : index
    %get3A_7 = arith.constant 0 : index
    %get3A_8 = arith.constant 0 : index
    %get3A_9 = vector.load %arg4[%get3A_6, %get3A_7, %get3A_8] : memref<8x625x50xf32, #tpu.memory_space<vmem>>, vector<8x625x50xf32>
    %broadcast_in_dim3A = vector.shape_cast %get3A_1 : vector<8x625xf32> to vector<8x625x1xf32>
    %lt3A = vector.broadcast %broadcast_in_dim3A : vector<8x625x1xf32> to vector<8x625x50xf32>
    %lt3A_10 = arith.cmpf olt, %get3A_5, %lt3A : vector<8x625x50xf32>
    %iota3A = tpu.iota {dimensions = array<i32: 2>} : vector<8x625x50xi32>
    %jit3A = arith.constant -1 : i32
    %broadcast_in_dim3A_11 = vector.broadcast %jit3A : i32 to vector<8x625x50xi32>
    %select_n3A = arith.select %lt3A_10, %iota3A, %broadcast_in_dim3A_11 : vector<8x625x50xi1>, vector<8x625x50xi32>
    %reduce_max3A = arith.constant dense<-2147483648> : vector<8x625xi32>
    %reduce_max3A_12 = vector.multi_reduction <maxsi>, %select_n3A, %reduce_max3A [2] : vector<8x625x50xi32> to vector<8x625xi32>
    %ge3A = arith.constant 0 : i32
    %ge3A_13 = vector.broadcast %ge3A : i32 to vector<8x625xi32>
    %ge3A_14 = arith.cmpi sge, %reduce_max3A_12, %ge3A_13 : vector<8x625xi32>
    %broadcast_in_dim3A_15 = vector.shape_cast %reduce_max3A_12 : vector<8x625xi32> to vector<8x625x1xi32>
    %eq3A = vector.broadcast %broadcast_in_dim3A_15 : vector<8x625x1xi32> to vector<8x625x50xi32>
    %eq3A_16 = arith.cmpi eq, %iota3A, %eq3A : vector<8x625x50xi32>
    %jit3A_17 = arith.constant 0.000000e+00 : f32
    %broadcast_in_dim3A_18 = vector.broadcast %jit3A_17 : f32 to vector<8x625x50xf32>
    %select_n3A_19 = arith.select %eq3A_16, %get3A_9, %broadcast_in_dim3A_18 : vector<8x625x50xi1>, vector<8x625x50xf32>
    %reduce_sum3A = arith.constant dense<0.000000e+00> : vector<8x625xf32>
    %reduce_sum3A_20 = vector.multi_reduction <add>, %select_n3A_19, %reduce_sum3A [2] : vector<8x625x50xf32> to vector<8x625xf32>
    %jit3A_21 = arith.constant 0.000000e+00 : f32
    %broadcast_in_dim3A_22 = vector.broadcast %jit3A_21 : f32 to vector<8x625x50xf32>
    %select_n3A_23 = arith.select %eq3A_16, %get3A_5, %broadcast_in_dim3A_22 : vector<8x625x50xi1>, vector<8x625x50xf32>
    %reduce_sum3A_24 = arith.constant dense<0.000000e+00> : vector<8x625xf32>
    %reduce_sum3A_25 = vector.multi_reduction <add>, %select_n3A_23, %reduce_sum3A_24 [2] : vector<8x625x50xf32> to vector<8x625xf32>
    %get3A_26 = arith.constant 0 : index
    %get3A_27 = arith.constant 0 : index
    %get3A_28 = memref.load %arg1[%get3A_26, %get3A_27] : memref<1x1xf32, #tpu.memory_space<smem>>
    %custom_jvp_call3A = arith.constant 0.000000e+00 : f32
    %max3A = arith.maximumf %get3A_28, %custom_jvp_call3A : f32
    %sub3A = arith.subf %get3A_28, %custom_jvp_call3A : f32
    %ne3A = arith.cmpf one, %sub3A, %sub3A : f32
    %add3A = arith.addf %get3A_28, %custom_jvp_call3A : f32
    %abs3A = math.absf %sub3A : f32
    %neg3A = arith.constant 0.000000e+00 : f32
    %neg3A_29 = arith.subf %neg3A, %abs3A : f32
    %exp3A = math.exp %neg3A_29 : f32
    %log1p3A = math.log1p %exp3A : f32
    %add3A_30 = arith.addf %max3A, %log1p3A : f32
    %select_n3A_31 = arith.select %ne3A, %add3A, %add3A_30 : f32
    %logistic3A = arith.negf %reduce_sum3A_20 : vector<8x625xf32>
    %logistic3A_32 = math.exp %logistic3A : vector<8x625xf32>
    %logistic3A_33 = arith.constant 1.000000e+00 : f32
    %logistic3A_34 = vector.broadcast %logistic3A_33 : f32 to vector<8x625xf32>
    %logistic3A_35 = arith.addf %logistic3A_34, %logistic3A_32 : vector<8x625xf32>
    %logistic3A_36 = arith.divf %logistic3A_34, %logistic3A_35 : vector<8x625xf32>
    %neg3A_37 = arith.constant 0.000000e+00 : f32
    %neg3A_38 = arith.subf %neg3A_37, %select_n3A_31 : f32
    %sub3A_39 = arith.subf %get3A_1, %reduce_sum3A_25 : vector<8x625xf32>
    %mul3A = vector.broadcast %neg3A_38 : f32 to vector<8x625xf32>
    %mul3A_40 = arith.mulf %mul3A, %sub3A_39 : vector<8x625xf32>
    %exp3A_41 = math.exp %mul3A_40 : vector<8x625xf32>
    %mul3A_42 = arith.mulf %logistic3A_36, %exp3A_41 : vector<8x625xf32>
    %jit3A_43 = arith.constant 0.000000e+00 : f32
    %broadcast_in_dim3A_44 = vector.broadcast %jit3A_43 : f32 to vector<8x625xf32>
    %select_n3A_45 = arith.select %ge3A_14, %mul3A_42, %broadcast_in_dim3A_44 : vector<8x625xi1>, vector<8x625xf32>
    %swap3A = arith.constant 0 : index
    %swap3A_46 = arith.constant 0 : index
    %swap3A_47 = vector.load %arg5[%swap3A, %swap3A_46] : memref<8x625xf32, #tpu.memory_space<vmem>>, vector<8x625xf32>
    tpu.vector_store %arg5[%swap3A, %swap3A_46], %select_n3A_45 {strides = array<i32>} : memref<8x625xf32, #tpu.memory_space<vmem>>, vector<8x625xf32>,
    return
  }
  func.func @transform_0(%arg0: i32) -> (i32, i32) {
    %c0_i32 = arith.constant 0 : i32
    %c0_i32_0 = arith.constant 0 : i32
    %c0_i32_1 = arith.constant 0 : i32
    return %c0_i32, %c0_i32_0 : i32, i32
  }
  func.func @transform_1(%arg0: i32) -> (i32, i32) {
    %c0_i32 = arith.constant 0 : i32
    %c0_i32_0 = arith.constant 0 : i32
    return %arg0, %c0_i32 : i32, i32
  }
  func.func @transform_2(%arg0: i32) -> (i32, i32, i32) {
    %c0_i32 = arith.constant 0 : i32
    %c0_i32_0 = arith.constant 0 : i32
    %c0_i32_1 = arith.constant 0 : i32
    return %arg0, %c0_i32, %c0_i32_0 : i32, i32, i32
  }
  func.func @transform_3(%arg0: i32) -> (i32, i32, i32) {
    %c0_i32 = arith.constant 0 : i32
    %c0_i32_0 = arith.constant 0 : i32
    %c0_i32_1 = arith.constant 0 : i32
    return %arg0, %c0_i32, %c0_i32_0 : i32, i32, i32
  }
  func.func @transform_4(%arg0: i32) -> (i32, i32) {
    %c0_i32 = arith.constant 0 : i32
    %c0_i32_0 = arith.constant 0 : i32
    return %arg0, %c0_i32 : i32, i32
  }
}

module attributes {stable_mosaic.version = 14 : i64} {
  func.func @_combine_body(%arg0: i32, %arg1: memref<64x625xf32, #tpu.memory_space<vmem>>, %arg2: memref<64x625xf32, #tpu.memory_space<vmem>>, %arg3: memref<64x625xf32, #tpu.memory_space<vmem>>, %arg4: memref<64x625xf32, #tpu.memory_space<vmem>>) attributes {dimension_semantics = [#tpu.dimension_semantics<arbitrary>], iteration_bounds = array<i64: 4>, scalar_prefetch = 0 : i64, scratch_operands = 0 : i64, tpu.core_type = #tpu.core_type<tc>, window_params = [{transform_indices = @transform_0, window_bounds = array<i64: 64, 625>}, {transform_indices = @transform_1, window_bounds = array<i64: 64, 625>}, {transform_indices = @transform_2, window_bounds = array<i64: 64, 625>}, {transform_indices = @transform_3, window_bounds = array<i64: 64, 625>}]} {
    %get3A = arith.constant 0 : index
    %get3A_0 = arith.constant 0 : index
    %get3A_1 = vector.load %arg1[%get3A, %get3A_0] : memref<64x625xf32, #tpu.memory_space<vmem>>, vector<64x625xf32>
    %custom_jvp_call3A = arith.constant 0.000000e+00 : f32
    %max3A = vector.broadcast %custom_jvp_call3A : f32 to vector<64x625xf32>
    %max3A_2 = arith.maximumf %get3A_1, %max3A : vector<64x625xf32>
    %sub3A = vector.broadcast %custom_jvp_call3A : f32 to vector<64x625xf32>
    %sub3A_3 = arith.subf %get3A_1, %sub3A : vector<64x625xf32>
    %ne3A = arith.cmpf one, %sub3A_3, %sub3A_3 : vector<64x625xf32>
    %add3A = vector.broadcast %custom_jvp_call3A : f32 to vector<64x625xf32>
    %add3A_4 = arith.addf %get3A_1, %add3A : vector<64x625xf32>
    %abs3A = math.absf %sub3A_3 : vector<64x625xf32>
    %neg3A = arith.constant 0.000000e+00 : f32
    %neg3A_5 = vector.broadcast %neg3A : f32 to vector<64x625xf32>
    %neg3A_6 = arith.subf %neg3A_5, %abs3A : vector<64x625xf32>
    %exp3A = math.exp %neg3A_6 : vector<64x625xf32>
    %log1p3A = math.log1p %exp3A : vector<64x625xf32>
    %add3A_7 = arith.addf %max3A_2, %log1p3A : vector<64x625xf32>
    %select_n3A = arith.select %ne3A, %add3A_4, %add3A_7 : vector<64x625xi1>, vector<64x625xf32>
    %get3A_8 = arith.constant 0 : index
    %get3A_9 = arith.constant 0 : index
    %get3A_10 = vector.load %arg2[%get3A_8, %get3A_9] : memref<64x625xf32, #tpu.memory_space<vmem>>, vector<64x625xf32>
    %custom_jvp_call3A_11 = arith.constant 0.000000e+00 : f32
    %max3A_12 = vector.broadcast %custom_jvp_call3A_11 : f32 to vector<64x625xf32>
    %max3A_13 = arith.maximumf %get3A_10, %max3A_12 : vector<64x625xf32>
    %sub3A_14 = vector.broadcast %custom_jvp_call3A_11 : f32 to vector<64x625xf32>
    %sub3A_15 = arith.subf %get3A_10, %sub3A_14 : vector<64x625xf32>
    %ne3A_16 = arith.cmpf one, %sub3A_15, %sub3A_15 : vector<64x625xf32>
    %add3A_17 = vector.broadcast %custom_jvp_call3A_11 : f32 to vector<64x625xf32>
    %add3A_18 = arith.addf %get3A_10, %add3A_17 : vector<64x625xf32>
    %abs3A_19 = math.absf %sub3A_15 : vector<64x625xf32>
    %neg3A_20 = arith.constant 0.000000e+00 : f32
    %neg3A_21 = vector.broadcast %neg3A_20 : f32 to vector<64x625xf32>
    %neg3A_22 = arith.subf %neg3A_21, %abs3A_19 : vector<64x625xf32>
    %exp3A_23 = math.exp %neg3A_22 : vector<64x625xf32>
    %log1p3A_24 = math.log1p %exp3A_23 : vector<64x625xf32>
    %add3A_25 = arith.addf %max3A_13, %log1p3A_24 : vector<64x625xf32>
    %select_n3A_26 = arith.select %ne3A_16, %add3A_18, %add3A_25 : vector<64x625xi1>, vector<64x625xf32>
    %get3A_27 = arith.constant 0 : index
    %get3A_28 = arith.constant 0 : index
    %get3A_29 = vector.load %arg3[%get3A_27, %get3A_28] : memref<64x625xf32, #tpu.memory_space<vmem>>, vector<64x625xf32>
    %mul3A = arith.mulf %select_n3A_26, %get3A_29 : vector<64x625xf32>
    %add3A_30 = arith.addf %select_n3A, %mul3A : vector<64x625xf32>
    %swap3A = arith.constant 0 : index
    %swap3A_31 = arith.constant 0 : index
    %swap3A_32 = vector.load %arg4[%swap3A, %swap3A_31] : memref<64x625xf32, #tpu.memory_space<vmem>>, vector<64x625xf32>
    tpu.vector_store %arg4[%swap3A, %swap3A_31], %add3A_30 {strides = array<i32>} : memref<64x625xf32, #tpu.memory_space<vmem>>, vector<64x625xf32>,
    return
  }
  func.func @transform_0(%arg0: i32) -> (i32, i32) {
    %c0_i32 = arith.constant 0 : i32
    %c0_i32_0 = arith.constant 0 : i32
    return %arg0, %c0_i32 : i32, i32
  }
  func.func @transform_1(%arg0: i32) -> (i32, i32) {
    %c0_i32 = arith.constant 0 : i32
    %c0_i32_0 = arith.constant 0 : i32
    return %arg0, %c0_i32 : i32, i32
  }
  func.func @transform_2(%arg0: i32) -> (i32, i32) {
    %c0_i32 = arith.constant 0 : i32
    %c0_i32_0 = arith.constant 0 : i32
    return %arg0, %c0_i32 : i32, i32
  }
  func.func @transform_3(%arg0: i32) -> (i32, i32) {
    %c0_i32 = arith.constant 0 : i32
    %c0_i32_0 = arith.constant 0 : i32
    return %arg0, %c0_i32 : i32, i32
  }
}

</mosaic_0001>

<sc_bundles>
// kernel: kernel.5.cloned.1.call-start
scs
__scs_entry_jumppad:
0x0: {  	(pc) =	sbr.rel $0x88, $3  }
0x1: {  	(tag) =	ssettag $0x0;
	lr =	simm.s32 $0x1  }
0x2: {  	[smem:$0x3F99] =	sst lr;
	_ =	strace $0xD0000000  }
0x3: {  	_ = 	snop  }
0x4: {  	_ = 	snop  }
0x5: {  	_ = 	snop  }
0x6: {  	_ = 	snop  }
0x7: {  	_ = 	snop  }
__scs_overlays_trampoline_lowered:
0x8: {  	[smem:$0x3FA8] =	sst s0  }
0x9: {  	[smem:$0x3FA9] =	sst s1  }
0xa: {  	[smem:$0x3FAA] =	sst s2  }
0xb: {  	[smem:$0x3FAB] =	sst s3  }
0xc: {  	[smem:$0x3FAC] =	sst s4  }
0xd: {  	[smem:$0x3FAD] =	sst s5  }
0xe: {  	[smem:$0x3FAE] =	sst s6  }
0xf: {  	[smem:$0x3FAF] =	sst s7  }
0x10: {  	[smem:$0x3FB0] =	sst s8  }
0x11: {  	[smem:$0x3FB1] =	sst s9;
	s0 =	simm.s32 @!p0 $0x0  }
0x12: {  	s1 =	sld [smem:$0x3F97];
	s0 =	simm.s32 @p0 $0x1  }
0x13: {  	[smem:$0x3FB2] =	sst s0;
	s0 =	simm.s32 @!p1 $0x0  }
0x14: {  	s2 =	sld [smem:$0x3F96];
	s0 =	simm.s32 @p1 $0x1  }
0x15: {  	[smem:$0x3FB3] =	sst s0;
	s0 =	simm.s32 @!p2 $0x0  }
0x16: {  	s3 =	sld [smem:$0x3FDB];
	s0 =	simm.s32 @p2 $0x1  }
0x17: {  	s4 =	simm.s32 $0x1BF5;
	[smem:$0x3FB5] =	sst s0  }
0x18: {  	s0 =	sld [smem:$0x3F98];
	_ =	swait.ge [sflag:s4], $0x0  }
0x19: {  	s7 =	sld [smem:$0x3F99]  }
0x1a: {  	s8 =	sadd.s32 $0xFFFFE003, lr  }
0x1b: {  	s9 =	sadd.s32 $0xFFFFFEF7, lr;
	s5 =	simm.s32 $0xFFFFFFFF;
	p2 =	slt.u32 s8, $0xFFFFF086  }
0x1c: {  	p1 =	slt.u32 s9, $0xF7A;
	s5 =	simm.s32 @!p2 $0x0  }
0x1d: {  	s5 =	simm.s32 @p1 $0x1;
	p0 =	seq.s32 s7, s2  }
0x1e: {  	s7 =	smul.u32 @!p0 $0xF7A, s2;
	p2 =	seq.s32 @!p0 s5, $0x0  }
0x1f: {  	s9 =	smul.u32 $0xF7A, s1;
	s8 =	simm.s32 @!p0 $0x1BF5;
	p2 =	por !p2, p0  }
0x20: {  	[sflag:s8] =	ssyncset.s32 @!p0 $0xFFFFF086;
	s6 =	sadd.s32 @!p0 s3, s7;
	s7 =	simm.s32 @!p0 $0x108  }
0x21: {  	s3 =	sadd.s32 s3, s9;
	s6 =	sadd.s32 @!p0 $0x88, s6;
	s7 =	simm.s32 @p2 $0x1082  }
0x22: {  	[simem:s7], [sflag:s8] =	dma.local @!p0 [hbm:s6], $0xF7A  }
0x23: {  	s9 =	sor.u32 $0xD0000000, s2;
	s6 =	simm.s32 $0x108;
	_ =	swait.ge @!p0 [sflag:s8], $0x0  }
0x24: {  	s3 =	sadd.s32 $0x88, s3;
	s6 =	simm.s32 @!p1 $0x1082;
	[sflag:s4] =	ssyncset.s32 $0xFFFFF086  }
0x25: {  	[simem:s6], [sflag:s4] =	dma.local [hbm:s3], $0xF7A  }
0x26: {  	[smem:$0x3F99] =	sst s1;
	(tag) =	ssettag s2;
	_ =	strace s9  }
0x27: {  	s1 =	sld [smem:$0x3FA9]  }
0x28: {  	s2 =	sld [smem:$0x3FAA]  }
0x29: {  	s4 =	sld [smem:$0x3FAC]  }
0x2a: {  	p0 =	seq.s32 s5, $0x0;
	s5 =	sld [smem:$0x3FAD]  }
0x2b: {  	s6 =	sld [smem:$0x3FAE]  }
0x2c: {  	s7 =	sld [smem:$0x3FAF]  }
0x2d: {  	s3 =	simm.s32 $0x108;
	s8 =	sld [smem:$0x3FB0]  }
0x2e: {  	s3 =	simm.s32 @!p0 $0x1082;
	s9 =	sld [smem:$0x3FB1]  }
0x2f: {  	lr =	sadd.s32 s0, s3;
	s0 =	sld [smem:$0x3FA8]  }
0x30: {  	s3 =	sld [smem:$0x3FAB]  }
0x31: {  	[smem:$0x3FB4] =	sst s10  }
0x32: {  	s10 =	sld [smem:$0x3FB2];
	_ =	sdelay $0x3  }
0x33: {  	p0 =	seq.s32 s10, $0x1;
	s10 =	sld [smem:$0x3FB4];
	_ =	sdelay $0x3  }
0x34: {  	[smem:$0x3FB4] =	sst s10  }
0x35: {  	s10 =	sld [smem:$0x3FB3];
	_ =	sdelay $0x3  }
0x36: {  	p1 =	seq.s32 s10, $0x1;
	s10 =	sld [smem:$0x3FB4];
	_ =	sdelay $0x3  }
0x37: {  	[smem:$0x3FB4] =	sst s10  }
0x38: {  	s10 =	sld [smem:$0x3FB5]  }
0x39: {  	_ = 	snop;
	(pc) =	sbr.ind lr, $3  }
0x3a: {  	_ = 	snop  }
0x3b: {  	_ = 	snop  }
0x3c: {  	p2 =	seq.s32 s10, $0x1;
	s10 =	sld [smem:$0x3FB4]  }
0x3d: {  	_ =	shalt  }
0x3e: {  	_ =	shalt  }
0x3f: {  	_ =	shalt  }
0x40: {  	_ =	shalt  }
0x41: {  	_ =	shalt  }
0x42: {  	_ =	shalt  }
0x43: {  	_ =	shalt  }
0x44: {  	_ =	shalt  }
0x45: {  	_ =	shalt  }
0x46: {  	_ =	shalt  }
0x47: {  	_ =	shalt  }
0x48: {  	_ =	shalt  }
0x49: {  	_ =	shalt  }
0x4a: {  	_ =	shalt  }
0x4b: {  	_ =	shalt  }
0x4c: {  	_ =	shalt  }
0x4d: {  	_ =	shalt  }
0x4e: {  	_ =	shalt  }
0x4f: {  	_ =	shalt  }
0x50: {  	_ =	shalt  }
0x51: {  	_ =	shalt  }
0x52: {  	_ =	shalt  }
0x53: {  	_ =	shalt  }
0x54: {  	_ =	shalt  }
0x55: {  	_ =	shalt  }
0x56: {  	_ =	shalt  }
0x57: {  	_ =	shalt  }
0x58: {  	_ =	shalt  }
0x59: {  	_ =	shalt  }
0x5a: {  	_ =	shalt  }
0x5b: {  	_ =	shalt  }
0x5c: {  	_ =	shalt  }
0x5d: {  	_ =	shalt  }
0x5e: {  	_ =	shalt  }
0x5f: {  	_ =	shalt  }
0x60: {  	_ =	shalt  }
0x61: {  	_ =	shalt  }
0x62: {  	_ =	shalt  }
0x63: {  	_ =	shalt  }
0x64: {  	_ =	shalt  }
0x65: {  	_ =	shalt  }
0x66: {  	_ =	shalt  }
0x67: {  	_ =	shalt  }
0x68: {  	_ =	shalt  }
0x69: {  	_ =	shalt  }
0x6a: {  	_ =	shalt  }
0x6b: {  	_ =	shalt  }
0x6c: {  	_ =	shalt  }
0x6d: {  	_ =	shalt  }
0x6e: {  	_ =	shalt  }
0x6f: {  	_ =	shalt  }
0x70: {  	_ =	shalt  }
0x71: {  	_ =	shalt  }
0x72: {  	_ =	shalt  }
0x73: {  	_ =	shalt  }
0x74: {  	_ =	shalt  }
0x75: {  	_ =	shalt  }
0x76: {  	_ =	shalt  }
0x77: {  	_ =	shalt  }
0x78: {  	_ =	shalt  }
0x79: {  	_ =	shalt  }
0x7a: {  	_ =	shalt  }
0x7b: {  	_ =	shalt  }
0x7c: {  	_ =	shalt  }
0x7d: {  	_ =	shalt  }
0x7e: {  	_ =	shalt  }
0x7f: {  	_ =	shalt  }
0x80: {  	_ =	shalt  }
0x81: {  	_ =	shalt  }
0x82: {  	_ =	shalt  }
0x83: {  	_ =	shalt  }
0x84: {  	_ =	shalt  }
0x85: {  	_ =	shalt  }
0x86: {  	_ =	shalt  }
0x87: {  	_ =	shalt  }
.Lfunc_end0:
.L_simem_size_0:
called_computation_lowered:
.L_overlay_start_0:
0x88: {  	s2 =	sld [smem:$0x3FD9]  }
0x89: {  	s3 =	sld [smem:$0x3FFE];
	_ =	sdelay $0x1  }
0x8a: {  	s1 =	srdreg.scid  }
0x8b: {  	s0 =	sand.u32 $0x1, s1  }
0x8c: {  	s17 =	sshll.u32 s0, $0xA;
	s2 =	sadd.s32 s3, s2  }
0x8d: {  	s2 =	sadd.s32 s2, s17  }
0x8e: {  	[smem:$0x3FC0] =	sst s2  }
0x8f: {  	_ = 	snop  }
0x90: {  	s2 =	sld [smem:$0x3FC9]  }
0x91: {  	s18 =	sld [smem:$0x3FC8]  }
0x92: {  	s4 =	sld [smem:$0x3FC4]  }
0x93: {  	s5 =	sld [smem:$0x3FD0];
	(tm) =	ssettm $0x1  }
0x94: {  	s6 =	sld [smem:$0x3FFB];
	_ =	sdelay $0x3  }
0x95: {  	_ =	strace s6  }
0x96: {  	s6 =	sld [smem:$0x3FFC];
	_ =	sdelay $0x3  }
0x97: {  	_ =	strace s6  }
0x98: {  	s6 =	sld [smem:$0x3FFD];
	_ =	sdelay $0x3  }
0x99: {  	_ =	strace s6  }
0x9a: {  	_ =	strace $0x8FFFFFFF  }
0x9b: {  	s19 =	sld [smem:$0x3FDB];
	_ =	sdelay $0x1  }
0x9c: {  	s7 =	simm.s32 $_scs_section_size  }
0x9d: {  	s8 =	simm.s32 $_size__tile_overlayer_lowered;
	s9 =	simm.s32 $_tile_overlayer_lowered  }
0x9e: {  	s22 =	simm.s32 $0x1BFF;
	s21 =	sshll.u32 s9, $0x1;
	s6 =	sadd.s32 s7, s19  }
0x9f: {  	s10 =	simm.s32 $0x0;
	s20 =	sshll.u32 s8, $0x1;
	s8 =	sadd.s32 s21, s6  }
0xa0: {  	[timem:s10], [sflag:s22] =	dma.local [hbm:s8], s20  }
0xa1: {  	_ =	swait.ge [sflag:s22], s20  }
0xa2: {  	s7 =	ssub.s32 $0x0, s20;
	[sflag:s22] =	ssyncset.done $0x0  }
0xa3: {  	[sflag:s22] =	ssyncadd.s32 s7;
	_ =	sdelay $0x1  }
0xa4: {  	s23 =	simm.s32 $0x1B8B  }
0xa5: {  	_ =	swait.ge [sflag:s23], $0x1  }
0xa6: {  	[sflag:s23] =	ssyncset.done $0x0  }
0xa7: {  	s25 =	simm.s32 $0x1B8E;
	s24 =	sld [smem:$0x3FFE];
	[sflag:s23] =	ssyncadd.s32 $0xFFFFFFFF  }
0xa8: {  	s26 =	simm.s32 $execute0_lowered;
	[smem:$0x3FD2] =	sst s25  }
0xa9: {  	s8 =	sshll.u32 s26, $0x1;
	_ =	strace $0x80000046;
	[dreg:$0x1] =	wrdreg $0xFFFFFFFF  }
0xaa: {  	s28 =	simm.s32 $_size_execute0_lowered;
	s6 =	sadd.s32 s6, s8;
	[dreg:$0x0] =	wrdreg $0x0  }
0xab: {  	s8 =	sshll.u32 s28, $0x1;
	[dreg:$0x2] =	wrdreg s6  }
0xac: {  	[dreg:$0x3] =	wrdreg s8  }
0xad: {  	[dreg:$0x4] =	wrdreg $0xC0  }
0xae: {  	_ =	task [dreg:s10], $0x5FFFF  }
0xaf: {  	[dreg:$0x1] =	wrdreg $0xFFFFFFFF  }
0xb0: {  	[dreg:$0x0] =	wrdreg $0x60  }
0xb1: {  	[dreg:$0x2] =	wrdreg s2  }
0xb2: {  	[dreg:$0x3] =	wrdreg s18  }
0xb3: {  	[dreg:$0x4] =	wrdreg s4  }
0xb4: {  	[dreg:$0x5] =	wrdreg s24  }
0xb5: {  	[dreg:$0x6] =	wrdreg s5  }
0xb6: {  	[dreg:$0x7] =	wrdreg $0x9  }
0xb7: {  	_ =	task.clear_ibuf [dreg:s10], $0x8FFFF;
	_ =	strace $0x90000046  }
0xb8: {  	s29 =	simm.s32 $0x9;
	_ =	strace $0x80000048  }
0xb9: {  	_ =	swait.ge [sflag:s29], $0x1  }
0xba: {  	[sflag:s29] =	ssyncadd.s32 $0xFFFFFFFF  }
0xbb: {  	_ =	strace $0x90000048  }
0xbc: {  	_ =	sfence  }
0xbd: {  	s30 =	sld [smem:$0x0];
	_ =	sdelay $0x2  }
0xbe: {  	s31 =	sshll.u32 s1, $0xD;
	s1 =	sshrl.u32 s1, $0x2  }
0xbf: {  	s3 =	sand.u32 $0x4000, s31;
	s1 =	sadd.s32 s1, s30  }
0xc0: {  	s0 =	sor.u32 s3, s0;
	s1 =	sshll.u32 s1, $0x11  }
0xc1: {  	s0 =	sor.u32 s1, s0  }
0xc2: {  	s0 =	sadd.s32 $0x8F2B, s0  }
0xc3: {  	[sflag:s0] =	ssyncadd.remote.s32 $0x1  }
0xc4: {  	_ =	sfence.sel $0xFFFF  }
0xc5: {  	[dreg:$0x0] =	wrdreg $0xFFFFFFFF;
	(pc) =	sbr.abs _section_cstart, $3  }
0xc6: {  	[dreg:$0x1] =	wrdreg $0xFFFFFFFF  }
0xc7: {  	_ =	task.clear_ibuf [dreg:s10], $0x2FFFF;
	_ =	strace $0x9FFFFFFF  }
0xc8: {  	(tm) =	ssettm $0x7FFFFFFF  }
0xc9: {  	_ =	shalt  }
tec
execute0_lowered:
.L_overlay_start_1:
0x0: {  	(tag) =	ssettag $0x1  }
0x1: {  	s1 =	rddreg [dreg:$0x0]  }
0x2: {  	s2 =	rddreg [dreg:$0x1]  }
0x3: {  	s3 =	rddreg [dreg:$0x2]  }
0x4: {  	s8 =	rddreg [dreg:$0x3]  }
0x5: {  	s4 =	rddreg [dreg:$0x4]  }
0x6: {  	s0 =	rddreg [dreg:$0x5];
	s6 =	simm.s32 $0x0  }
0x7: {  	s7 =	srdreg.scid;
	s5 =	stileid.u32;
	s13 =	simm.s32 $0x80  }
0x8: {  	s14 =	simm.s32 $0x2810;
	s15 =	simm.s32 $0x4810;
	s16 =	simm.s32 $0x1  }
0x9: {  	s17 =	simm.s32 $0x6810;
	s18 =	simm.s32 $0x6890;
	s19 =	simm.s32 $0x0  }
0xa: {  	[smem:$0x7FF] =	sst s6;
	s9 =	sand.u32 $0x1, s7;
	s10 =	sshll.u32 s5, $0x1  }
0xb: {  	v0 =	vlaneseq.u32;
	s7 =	sadd.s32 $0xA00, s8;
	s8 =	sadd.s32 $0x14400, s8;
	s11 =	ssub.s32 $0x2, s9  }
0xc: {  	v13 =	vmul.u32 $0x40, v0;
	_ =	strace $0x80000047;
	s9 =	sor.u32 s9, s10;
	s31 =	sshrl.u32 s11, $0x1  }
0xd: {  	s12 =	ssub.s32 $0x501, s9;
	s9 =	sshll.u32 s9, $0x7;
	s11 =	ssub.s32 s11, s31  }
0xe: {  	[tilespmem:$0x1FFF0] =	vst v13;
	s10 =	sshrl.u32 s12, $0x5;
	s12 =	simm.s32 $0x2;
	s11 =	smax.u32 s11, $0x1  }
.LBB2_1:
0xf: {  	[tilespmem:s6], [sflag:$0x2] =	stream.linear.gather [hbm4b:s3+s6], $0x2710, $0x38;
	[tilespmem:$0x6910] =	vst v63  }
0x10: {  	_ =	swait.ge [sflag:s12], $0x2710  }
0x11: {  	[sflag:s12] =	ssyncset.done $0x0  }
0x12: {  	s20 =	simm.s32 $0x0;
	[sflag:s12] =	ssyncadd.s32 $0xFFFFD8F0  }
.LBB2_2:
0x13: {  	s21 =	sshll.u32 s20, $0xC  }
0x14: {  	s21 =	sor.u32 s9, s21  }
0x15: {  	s21 =	sshrl.u32 s21, $0x3  }
0x16: {  	s24 =	simm.s32 $0x0;
	s22 =	simm.s32 $0x2710;
	s23 =	sadd.s32 s1, s21  }
0x17: {  	[tilespmem:s22], [sflag:$0x2] =	stream.linear.gather [hbm4b:s23+s24], $0x80, $0x38;
	[tilespmem:$0x6910] =	vst v63  }
0x18: {  	_ =	swait.ge [sflag:s12], $0x80  }
0x19: {  	[sflag:s12] =	ssyncset.done $0x0  }
0x1a: {  	s25 =	sadd.s32 s2, s21;
	s23 =	simm.s32 $0x2790;
	[sflag:s12] =	ssyncadd.s32 $0xFFFFFF80  }
0x1b: {  	[tilespmem:s23], [sflag:$0x2] =	stream.linear.gather [hbm4b:s25+s24], $0x80, $0x38;
	[tilespmem:$0x6910] =	vst v63  }
0x1c: {  	_ =	swait.ge [sflag:s12], $0x80  }
0x1d: {  	[sflag:s12] =	ssyncset.done $0x0  }
0x1e: {  	[sflag:s12] =	ssyncadd.s32 $0xFFFFFF80  }
0x1f: {  	[tilespmem:s14], [sflag:$0x1] =	stream.indirect.gather [hbm4b:s7+s13], $0x40, s22, s13, $0xb8;
	[tilespmem:$0x6910] =	vst v63  }
0x20: {  	_ = 	snop  }
0x21: {  	[tilespmem:s15], [sflag:$0x1] =	stream.indirect.gather [hbm4b:s7+s13], $0x40, s23, s13, $0xb8;
	[tilespmem:$0x6910] =	vst v63  }
0x22: {  	_ =	swait.ge [sflag:s16], $0x2000  }
0x23: {  	[sflag:s16] =	ssyncset.done $0x0  }
0x24: {  	[sflag:s16] =	ssyncadd.s32 $0xFFFFE000  }
0x25: {  	_ =	swait.ge [sflag:s16], $0x2000  }
0x26: {  	[sflag:s16] =	ssyncset.done $0x0  }
0x27: {  	[sflag:s16] =	ssyncadd.s32 $0xFFFFE000  }
0x28: {  	v1 =	vld [tilespmem:s22+$0x0]  }
0x29: {  	v2 =	vld [tilespmem:s23+$0x0];
	_ =	sdelay $0x6  }
0x2a: {  	v3 =	vld.idx.msk [tilespmem:v1+s6+$0x0], $0xffff  }
0x2b: {  	v2 =	vld.idx.msk [tilespmem:v2+s6+$0x0], $0xffff  }
0x2c: {  	v1 =	vmov s24  }
0x2d: {  	v1 =	vshll.u32 v1, $0x6  }
0x2e: {  	v1 =	vor.u32 v13, v1;
	_ =	sdelay $0x1  }
0x2f: {  	v4 =	vor.u32 $0x1, v1;
	v2 =	vadd.f32 v2, v3  }
0x30: {  	s24 =	simm.s32 $0x6810  }
0x31: {  	[tilespmem:s24+$0x0] =	vst v2;
	v2 =	vor.u32 $0x2, v1  }
0x32: {  	v3 =	vld.idx.msk [tilespmem:v1+s14+$0x0], $0xffff  }
0x33: {  	v5 =	vor.u32 $0x3, v1;
	v6 =	vld.idx.msk [tilespmem:v1+s15+$0x0], $0xffff  }
0x34: {  	v7 =	vld.idx.msk [tilespmem:v4+s15+$0x0], $0xffff  }
0x35: {  	v8 =	vor.u32 $0x4, v1;
	v4 =	vld.idx.msk [tilespmem:v4+s14+$0x0], $0xffff  }
0x36: {  	v9 =	vld.idx.msk [tilespmem:v2+s15+$0x0], $0xffff  }
0x37: {  	v10 =	vor.u32 $0x5, v1;
	v2 =	vld.idx.msk [tilespmem:v2+s14+$0x0], $0xffff  }
0x38: {  	v11 =	vld.idx.msk [tilespmem:v5+s15+$0x0], $0xffff;
	v3 =	vmul.f32 v6, v3  }
0x39: {  	v19 =	vor.u32 $0x6, v1;
	v5 =	vld.idx.msk [tilespmem:v5+s14+$0x0], $0xffff  }
0x3a: {  	v12 =	vld.idx.msk [tilespmem:v8+s15+$0x0], $0xffff;
	v4 =	vmul.f32 v7, v4;
	v3 =	vadd.f32 $0.0e+00, v3  }
0x3b: {  	v21 =	vor.u32 $0x7, v1;
	v20 =	vld.idx.msk [tilespmem:v8+s14+$0x0], $0xffff  }
0x3c: {  	v22 =	vld.idx.msk [tilespmem:v10+s15+$0x0], $0xffff;
	v2 =	vmul.f32 v9, v2;
	v3 =	vadd.f32 v4, v3  }
0x3d: {  	v24 =	vor.u32 $0x8, v1;
	v23 =	vld.idx.msk [tilespmem:v10+s14+$0x0], $0xffff  }
0x3e: {  	v25 =	vld.idx.msk [tilespmem:v19+s15+$0x0], $0xffff;
	v5 =	vmul.f32 v11, v5;
	v2 =	vadd.f32 v2, v3  }
0x3f: {  	v26 =	vor.u32 $0x9, v1;
	v3 =	vld.idx.msk [tilespmem:v19+s14+$0x0], $0xffff  }
0x40: {  	v8 =	vld.idx.msk [tilespmem:v21+s14+$0x0], $0xffff;
	v7 =	vmul.f32 v12, v20;
	v2 =	vadd.f32 v5, v2  }
0x41: {  	v27 =	vor.u32 $0xA, v1;
	v12 =	vld.idx.msk [tilespmem:v21+s15+$0x0], $0xffff  }
0x42: {  	v28 =	vld.idx.msk [tilespmem:v24+s15+$0x0], $0xffff;
	v4 =	vmul.f32 v22, v23;
	v2 =	vadd.f32 v7, v2  }
0x43: {  	v29 =	vor.u32 $0xB, v1;
	v10 =	vld.idx.msk [tilespmem:v24+s14+$0x0], $0xffff  }
0x44: {  	v30 =	vld.idx.msk [tilespmem:v26+s14+$0x0], $0xffff;
	v3 =	vmul.f32 v25, v3;
	v2 =	vadd.f32 v4, v2  }
0x45: {  	v31 =	vor.u32 $0xC, v1;
	v6 =	vld.idx.msk [tilespmem:v26+s15+$0x0], $0xffff  }
0x46: {  	v8 =	vmul.f32 v12, v8;
	v12 =	vld.idx.msk [tilespmem:v27+s14+$0x0], $0xffff;
	v2 =	vadd.f32 v3, v2  }
0x47: {  	v5 =	vld.idx.msk [tilespmem:v27+s15+$0x0], $0xffff;
	v3 =	vor.u32 $0xD, v1  }
0x48: {  	v32 =	vld.idx.msk [tilespmem:v29+s14+$0x0], $0xffff;
	v9 =	vmul.f32 v28, v10;
	v2 =	vadd.f32 v8, v2  }
0x49: {  	v33 =	vor.u32 $0xE, v1;
	v7 =	vld.idx.msk [tilespmem:v29+s15+$0x0], $0xffff  }
0x4a: {  	v34 =	vld.idx.msk [tilespmem:v31+s14+$0x0], $0xffff;
	v6 =	vmul.f32 v6, v30;
	v2 =	vadd.f32 v9, v2  }
0x4b: {  	v35 =	vor.u32 $0xF, v1;
	v4 =	vld.idx.msk [tilespmem:v31+s15+$0x0], $0xffff  }
0x4c: {  	v5 =	vmul.f32 v5, v12;
	v12 =	vld.idx.msk [tilespmem:v3+s14+$0x0], $0xffff;
	v2 =	vadd.f32 v6, v2  }
0x4d: {  	v36 =	vor.u32 $0x10, v1;
	v3 =	vld.idx.msk [tilespmem:v3+s15+$0x0], $0xffff  }
0x4e: {  	v37 =	vld.idx.msk [tilespmem:v33+s14+$0x0], $0xffff;
	v7 =	vmul.f32 v7, v32;
	v2 =	vadd.f32 v5, v2  }
0x4f: {  	v38 =	vor.u32 $0x11, v1;
	v8 =	vld.idx.msk [tilespmem:v33+s15+$0x0], $0xffff  }
0x50: {  	v39 =	vld.idx.msk [tilespmem:v35+s14+$0x0], $0xffff;
	v4 =	vmul.f32 v4, v34;
	v2 =	vadd.f32 v7, v2  }
0x51: {  	v40 =	vor.u32 $0x12, v1;
	v11 =	vld.idx.msk [tilespmem:v35+s15+$0x0], $0xffff  }
0x52: {  	v6 =	vld.idx.msk [tilespmem:v36+s15+$0x0], $0xffff;
	v3 =	vmul.f32 v3, v12;
	v2 =	vadd.f32 v4, v2  }
0x53: {  	v41 =	vor.u32 $0x13, v1;
	v12 =	vld.idx.msk [tilespmem:v36+s14+$0x0], $0xffff  }
0x54: {  	v42 =	vld.idx.msk [tilespmem:v38+s14+$0x0], $0xffff;
	v5 =	vmul.f32 v8, v37;
	v2 =	vadd.f32 v3, v2  }
0x55: {  	v10 =	vld.idx.msk [tilespmem:v38+s15+$0x0], $0xffff;
	v3 =	vor.u32 $0x14, v1  }
0x56: {  	v43 =	vld.idx.msk [tilespmem:v40+s14+$0x0], $0xffff;
	v9 =	vmul.f32 v11, v39;
	v2 =	vadd.f32 v5, v2  }
0x57: {  	v44 =	vor.u32 $0x15, v1;
	v7 =	vld.idx.msk [tilespmem:v40+s15+$0x0], $0xffff  }
0x58: {  	v4 =	vld.idx.msk [tilespmem:v41+s15+$0x0], $0xffff;
	v6 =	vmul.f32 v6, v12;
	v2 =	vadd.f32 v9, v2  }
0x59: {  	v45 =	vor.u32 $0x16, v1;
	v12 =	vld.idx.msk [tilespmem:v41+s14+$0x0], $0xffff  }
0x5a: {  	v8 =	vmul.f32 v10, v42;
	v46 =	vld.idx.msk [tilespmem:v3+s14+$0x0], $0xffff;
	v2 =	vadd.f32 v6, v2  }
0x5b: {  	v47 =	vor.u32 $0x17, v1;
	v3 =	vld.idx.msk [tilespmem:v3+s15+$0x0], $0xffff  }
0x5c: {  	v48 =	vld.idx.msk [tilespmem:v44+s14+$0x0], $0xffff;
	v7 =	vmul.f32 v7, v43;
	v2 =	vadd.f32 v8, v2  }
0x5d: {  	v49 =	vor.u32 $0x18, v1;
	v5 =	vld.idx.msk [tilespmem:v44+s15+$0x0], $0xffff  }
0x5e: {  	v9 =	vld.idx.msk [tilespmem:v45+s15+$0x0], $0xffff;
	v4 =	vmul.f32 v4, v12;
	v2 =	vadd.f32 v7, v2  }
0x5f: {  	v50 =	vor.u32 $0x19, v1;
	v12 =	vld.idx.msk [tilespmem:v45+s14+$0x0], $0xffff  }
0x60: {  	v51 =	vld.idx.msk [tilespmem:v47+s14+$0x0], $0xffff;
	v3 =	vmul.f32 v3, v46;
	v2 =	vadd.f32 v4, v2  }
0x61: {  	v52 =	vor.u32 $0x1A, v1;
	v6 =	vld.idx.msk [tilespmem:v47+s15+$0x0], $0xffff  }
0x62: {  	v53 =	vld.idx.msk [tilespmem:v49+s14+$0x0], $0xffff;
	v5 =	vmul.f32 v5, v48;
	v2 =	vadd.f32 v3, v2  }
0x63: {  	v8 =	vld.idx.msk [tilespmem:v49+s15+$0x0], $0xffff;
	v3 =	vor.u32 $0x1B, v1  }
0x64: {  	v7 =	vld.idx.msk [tilespmem:v50+s15+$0x0], $0xffff;
	v9 =	vmul.f32 v9, v12;
	v2 =	vadd.f32 v5, v2  }
0x65: {  	v54 =	vor.u32 $0x1C, v1;
	v12 =	vld.idx.msk [tilespmem:v50+s14+$0x0], $0xffff  }
0x66: {  	v55 =	vld.idx.msk [tilespmem:v52+s14+$0x0], $0xffff;
	v6 =	vmul.f32 v6, v51;
	v2 =	vadd.f32 v9, v2  }
0x67: {  	v56 =	vor.u32 $0x1D, v1;
	v4 =	vld.idx.msk [tilespmem:v52+s15+$0x0], $0xffff  }
0x68: {  	v8 =	vmul.f32 v8, v53;
	v57 =	vld.idx.msk [tilespmem:v3+s14+$0x0], $0xffff;
	v2 =	vadd.f32 v6, v2  }
0x69: {  	v58 =	vor.u32 $0x1E, v1;
	v3 =	vld.idx.msk [tilespmem:v3+s15+$0x0], $0xffff  }
0x6a: {  	v7 =	vmul.f32 v7, v12;
	v12 =	vld.idx.msk [tilespmem:v54+s14+$0x0], $0xffff;
	v2 =	vadd.f32 v8, v2  }
0x6b: {  	v59 =	vor.u32 $0x1F, v1;
	v5 =	vld.idx.msk [tilespmem:v54+s15+$0x0], $0xffff  }
0x6c: {  	v60 =	vld.idx.msk [tilespmem:v56+s14+$0x0], $0xffff;
	v4 =	vmul.f32 v4, v55;
	v2 =	vadd.f32 v7, v2  }
0x6d: {  	v61 =	vor.u32 $0x20, v1;
	v9 =	vld.idx.msk [tilespmem:v56+s15+$0x0], $0xffff  }
0x6e: {  	v62 =	vld.idx.msk [tilespmem:v58+s14+$0x0], $0xffff;
	v3 =	vmul.f32 v3, v57;
	v2 =	vadd.f32 v4, v2  }
0x6f: {  	v63 =	vor.u32 $0x21, v1;
	v6 =	vld.idx.msk [tilespmem:v58+s15+$0x0], $0xffff  }
0x70: {  	v5 =	vmul.f32 v5, v12;
	v12 =	vld.idx.msk [tilespmem:v59+s14+$0x0], $0xffff;
	v2 =	vadd.f32 v3, v2  }
0x71: {  	v8 =	vld.idx.msk [tilespmem:v59+s15+$0x0], $0xffff;
	v3 =	vor.u32 $0x22, v1  }
0x72: {  	v16 =	vld.idx.msk [tilespmem:v61+s14+$0x0], $0xffff;
	v9 =	vmul.f32 v9, v60;
	v2 =	vadd.f32 v5, v2  }
0x73: {  	v17 =	vor.u32 $0x23, v1;
	v7 =	vld.idx.msk [tilespmem:v61+s15+$0x0], $0xffff  }
0x74: {  	v18 =	vld.idx.msk [tilespmem:v63+s14+$0x0], $0xffff;
	v4 =	vmul.f32 v6, v62;
	v2 =	vadd.f32 v9, v2  }
0x75: {  	v19 =	vor.u32 $0x24, v1;
	v11 =	vld.idx.msk [tilespmem:v63+s15+$0x0], $0xffff  }
0x76: {  	v8 =	vmul.f32 v8, v12;
	v12 =	vld.idx.msk [tilespmem:v3+s14+$0x0], $0xffff;
	v2 =	vadd.f32 v4, v2  }
0x77: {  	v20 =	vor.u32 $0x25, v1;
	v3 =	vld.idx.msk [tilespmem:v3+s15+$0x0], $0xffff  }
0x78: {  	v21 =	vld.idx.msk [tilespmem:v17+s14+$0x0], $0xffff;
	v7 =	vmul.f32 v7, v16;
	v2 =	vadd.f32 v8, v2  }
0x79: {  	v22 =	vor.u32 $0x26, v1;
	v5 =	vld.idx.msk [tilespmem:v17+s15+$0x0], $0xffff  }
0x7a: {  	v23 =	vld.idx.msk [tilespmem:v19+s14+$0x0], $0xffff;
	v6 =	vmul.f32 v11, v18;
	v2 =	vadd.f32 v7, v2  }
0x7b: {  	v24 =	vor.u32 $0x27, v1;
	v9 =	vld.idx.msk [tilespmem:v19+s15+$0x0], $0xffff  }
0x7c: {  	v4 =	vld.idx.msk [tilespmem:v20+s15+$0x0], $0xffff;
	v3 =	vmul.f32 v3, v12;
	v2 =	vadd.f32 v6, v2  }
0x7d: {  	v25 =	vor.u32 $0x28, v1;
	v12 =	vld.idx.msk [tilespmem:v20+s14+$0x0], $0xffff  }
0x7e: {  	v5 =	vmul.f32 v5, v21;
	v8 =	vld.idx.msk [tilespmem:v22+s15+$0x0], $0xffff;
	v2 =	vadd.f32 v3, v2  }
0x7f: {  	v26 =	vor.u32 $0x29, v1;
	v3 =	vld.idx.msk [tilespmem:v22+s14+$0x0], $0xffff  }
0x80: {  	v27 =	vld.idx.msk [tilespmem:v24+s14+$0x0], $0xffff;
	v9 =	vmul.f32 v9, v23;
	v2 =	vadd.f32 v5, v2  }
0x81: {  	v28 =	vor.u32 $0x2A, v1;
	v7 =	vld.idx.msk [tilespmem:v24+s15+$0x0], $0xffff  }
0x82: {  	v6 =	vld.idx.msk [tilespmem:v25+s15+$0x0], $0xffff;
	v4 =	vmul.f32 v4, v12;
	v2 =	vadd.f32 v9, v2  }
0x83: {  	v29 =	vor.u32 $0x2B, v1;
	v12 =	vld.idx.msk [tilespmem:v25+s14+$0x0], $0xffff  }
0x84: {  	v30 =	vld.idx.msk [tilespmem:v26+s14+$0x0], $0xffff;
	v3 =	vmul.f32 v8, v3;
	v2 =	vadd.f32 v4, v2  }
0x85: {  	v31 =	vor.u32 $0x2C, v1;
	v10 =	vld.idx.msk [tilespmem:v26+s15+$0x0], $0xffff  }
0x86: {  	v32 =	vld.idx.msk [tilespmem:v28+s14+$0x0], $0xffff;
	v7 =	vmul.f32 v7, v27;
	v2 =	vadd.f32 v3, v2  }
0x87: {  	v5 =	vld.idx.msk [tilespmem:v28+s15+$0x0], $0xffff;
	v3 =	vor.u32 $0x2D, v1  }
0x88: {  	v9 =	vld.idx.msk [tilespmem:v29+s15+$0x0], $0xffff;
	v6 =	vmul.f32 v6, v12;
	v2 =	vadd.f32 v7, v2  }
0x89: {  	v33 =	vor.u32 $0x2E, v1;
	v12 =	vld.idx.msk [tilespmem:v29+s14+$0x0], $0xffff  }
0x8a: {  	v34 =	vld.idx.msk [tilespmem:v31+s14+$0x0], $0xffff;
	v4 =	vmul.f32 v10, v30;
	v2 =	vadd.f32 v6, v2  }
0x8b: {  	v35 =	vor.u32 $0x2F, v1;
	v8 =	vld.idx.msk [tilespmem:v31+s15+$0x0], $0xffff  }
0x8c: {  	v5 =	vmul.f32 v5, v32;
	v36 =	vld.idx.msk [tilespmem:v3+s14+$0x0], $0xffff;
	v2 =	vadd.f32 v4, v2  }
0x8d: {  	v37 =	vor.u32 $0x30, v1;
	v3 =	vld.idx.msk [tilespmem:v3+s15+$0x0], $0xffff  }
0x8e: {  	v7 =	vld.idx.msk [tilespmem:v33+s15+$0x0], $0xffff;
	v9 =	vmul.f32 v9, v12;
	v2 =	vadd.f32 v5, v2  }
0x8f: {  	v38 =	vor.u32 $0x31, v1;
	v12 =	vld.idx.msk [tilespmem:v33+s14+$0x0], $0xffff  }
0x90: {  	v39 =	vld.idx.msk [tilespmem:v35+s14+$0x0], $0xffff;
	v8 =	vmul.f32 v8, v34;
	v2 =	vadd.f32 v9, v2  }
0x91: {  	v40 =	vor.u32 $0x32, v1;
	v6 =	vld.idx.msk [tilespmem:v35+s15+$0x0], $0xffff  }
0x92: {  	v41 =	vld.idx.msk [tilespmem:v37+s14+$0x0], $0xffff;
	v3 =	vmul.f32 v3, v36;
	v2 =	vadd.f32 v8, v2  }
0x93: {  	v42 =	vor.u32 $0x33, v1;
	v4 =	vld.idx.msk [tilespmem:v37+s15+$0x0], $0xffff  }
0x94: {  	v7 =	vmul.f32 v7, v12;
	v12 =	vld.idx.msk [tilespmem:v38+s14+$0x0], $0xffff;
	v2 =	vadd.f32 v3, v2  }
0x95: {  	v5 =	vld.idx.msk [tilespmem:v38+s15+$0x0], $0xffff;
	v3 =	vor.u32 $0x34, v1  }
0x96: {  	v43 =	vld.idx.msk [tilespmem:v40+s14+$0x0], $0xffff;
	v6 =	vmul.f32 v6, v39;
	v2 =	vadd.f32 v7, v2  }
0x97: {  	v44 =	vor.u32 $0x35, v1;
	v10 =	vld.idx.msk [tilespmem:v40+s15+$0x0], $0xffff  }
0x98: {  	v45 =	vld.idx.msk [tilespmem:v42+s14+$0x0], $0xffff;
	v4 =	vmul.f32 v4, v41;
	v2 =	vadd.f32 v6, v2  }
0x99: {  	v46 =	vor.u32 $0x36, v1;
	v8 =	vld.idx.msk [tilespmem:v42+s15+$0x0], $0xffff  }
0x9a: {  	v5 =	vmul.f32 v5, v12;
	v12 =	vld.idx.msk [tilespmem:v3+s14+$0x0], $0xffff;
	v2 =	vadd.f32 v4, v2  }
0x9b: {  	v47 =	vor.u32 $0x37, v1;
	v3 =	vld.idx.msk [tilespmem:v3+s15+$0x0], $0xffff  }
0x9c: {  	v48 =	vld.idx.msk [tilespmem:v44+s14+$0x0], $0xffff;
	v9 =	vmul.f32 v10, v43;
	v2 =	vadd.f32 v5, v2  }
0x9d: {  	v49 =	vor.u32 $0x38, v1;
	v7 =	vld.idx.msk [tilespmem:v44+s15+$0x0], $0xffff  }
0x9e: {  	v50 =	vld.idx.msk [tilespmem:v46+s14+$0x0], $0xffff;
	v6 =	vmul.f32 v8, v45;
	v2 =	vadd.f32 v9, v2  }
0x9f: {  	v51 =	vor.u32 $0x39, v1;
	v11 =	vld.idx.msk [tilespmem:v46+s15+$0x0], $0xffff  }
0xa0: {  	v4 =	vld.idx.msk [tilespmem:v47+s15+$0x0], $0xffff;
	v3 =	vmul.f32 v3, v12;
	v2 =	vadd.f32 v6, v2  }
0xa1: {  	v52 =	vor.u32 $0x3A, v1;
	v12 =	vld.idx.msk [tilespmem:v47+s14+$0x0], $0xffff  }
0xa2: {  	v53 =	vld.idx.msk [tilespmem:v49+s14+$0x0], $0xffff;
	v5 =	vmul.f32 v7, v48;
	v2 =	vadd.f32 v3, v2  }
0xa3: {  	v10 =	vld.idx.msk [tilespmem:v49+s15+$0x0], $0xffff;
	v3 =	vor.u32 $0x3B, v1  }
0xa4: {  	v54 =	vld.idx.msk [tilespmem:v51+s14+$0x0], $0xffff;
	v8 =	vmul.f32 v11, v50;
	v2 =	vadd.f32 v5, v2  }
0xa5: {  	v55 =	vor.u32 $0x3C, v1;
	v9 =	vld.idx.msk [tilespmem:v51+s15+$0x0], $0xffff  }
0xa6: {  	v6 =	vld.idx.msk [tilespmem:v52+s15+$0x0], $0xffff;
	v4 =	vmul.f32 v4, v12;
	v2 =	vadd.f32 v8, v2  }
0xa7: {  	v56 =	vor.u32 $0x3D, v1;
	v12 =	vld.idx.msk [tilespmem:v52+s14+$0x0], $0xffff  }
0xa8: {  	v7 =	vmul.f32 v10, v53;
	v57 =	vld.idx.msk [tilespmem:v3+s14+$0x0], $0xffff;
	v2 =	vadd.f32 v4, v2  }
0xa9: {  	v58 =	vor.u32 $0x3E, v1;
	v3 =	vld.idx.msk [tilespmem:v3+s15+$0x0], $0xffff  }
0xaa: {  	v59 =	vld.idx.msk [tilespmem:v55+s14+$0x0], $0xffff;
	v9 =	vmul.f32 v9, v54;
	v2 =	vadd.f32 v7, v2  }
0xab: {  	v1 =	vor.u32 $0x3F, v1;
	v5 =	vld.idx.msk [tilespmem:v55+s15+$0x0], $0xffff  }
0xac: {  	v60 =	vld.idx.msk [tilespmem:v56+s14+$0x0], $0xffff;
	v6 =	vmul.f32 v6, v12;
	v2 =	vadd.f32 v9, v2  }
0xad: {  	v8 =	vld.idx.msk [tilespmem:v56+s15+$0x0], $0xffff  }
0xae: {  	v61 =	vld.idx.msk [tilespmem:v58+s14+$0x0], $0xffff;
	v3 =	vmul.f32 v3, v57;
	v2 =	vadd.f32 v6, v2  }
0xaf: {  	v62 =	vld.idx.msk [tilespmem:v58+s15+$0x0], $0xffff  }
0xb0: {  	v63 =	vld.idx.msk [tilespmem:v1+s14+$0x0], $0xffff;
	v2 =	vadd.f32 v3, v2;
	v3 =	vmul.f32 v5, v59  }
0xb1: {  	v1 =	vld.idx.msk [tilespmem:v1+s15+$0x0], $0xffff  }
0xb2: {  	v2 =	vadd.f32 v3, v2;
	v3 =	vmul.f32 v8, v60;
	_ =	sdelay $0x1  }
0xb3: {  	v4 =	vmul.f32 v62, v61;
	v2 =	vadd.f32 v3, v2;
	_ =	sdelay $0x1  }
0xb4: {  	s26 =	simm.s32 $0x10;
	s28 =	simm.s32 $0x68A0;
	s25 =	simm.s32 $0x6890;
	v1 =	vmul.f32 v1, v63;
	v2 =	vadd.f32 v4, v2  }
.LBB2_3:
0xb5: {  	_ = 	snop  }
0xb6: {  	v1 =	vadd.f32 v1, v2;
	_ =	sdelay $0x1  }
0xb7: {  	s22 =	sadd.s32 $0x10, s22;
	[tilespmem:s25+$0x0] =	vst v1  }
0xb8: {  	s23 =	sadd.s32 $0x10, s23;
	v1 =	vld [tilespmem:s22+$0x0]  }
0xb9: {  	v2 =	vld [tilespmem:s23+$0x0];
	_ =	sdelay $0x6  }
0xba: {  	s29 =	smov.u32 s26;
	v1 =	vld.idx.msk [tilespmem:v1+s6+$0x0], $0xffff  }
0xbb: {  	v3 =	vmov s29;
	v2 =	vld.idx.msk [tilespmem:v2+s6+$0x0], $0xffff  }
0xbc: {  	v3 =	vshll.u32 v3, $0x6  }
0xbd: {  	v54 =	vor.u32 v13, v3  }
0xbe: {  	v3 =	vor.u32 $0x1, v54;
	_ =	sdelay $0x1  }
0xbf: {  	v55 =	vor.u32 $0xA, v54;
	v52 =	vor.u32 $0xB, v54;
	v1 =	vadd.f32 v2, v1  }
0xc0: {  	s24 =	sadd.s32 $0x10, s24;
	v53 =	vor.u32 $0xC, v54;
	v51 =	vor.u32 $0xD, v54;
	v50 =	vor.u32 $0xE, v54  }
0xc1: {  	v49 =	vor.u32 $0xF, v54;
	v48 =	vor.u32 $0x10, v54;
	v5 =	vor.u32 $0x3, v54;
	[tilespmem:s24+$0x0] =	vst v1  }
0xc2: {  	v47 =	vor.u32 $0x11, v54;
	v46 =	vor.u32 $0x12, v54;
	v45 =	vor.u32 $0x13, v54;
	v2 =	vld.idx.msk [tilespmem:v3+s15+$0x0], $0xffff  }
0xc3: {  	v44 =	vor.u32 $0x14, v54;
	v43 =	vor.u32 $0x15, v54;
	v1 =	vor.u32 $0x2, v54;
	v4 =	vld.idx.msk [tilespmem:v54+s14+$0x0], $0xffff  }
0xc4: {  	v42 =	vor.u32 $0x16, v54;
	v41 =	vor.u32 $0x17, v54;
	v40 =	vor.u32 $0x18, v54;
	v6 =	vld.idx.msk [tilespmem:v54+s15+$0x0], $0xffff  }
0xc5: {  	v39 =	vor.u32 $0x19, v54;
	v38 =	vor.u32 $0x1A, v54;
	v9 =	vor.u32 $0x5, v54;
	v3 =	vld.idx.msk [tilespmem:v3+s14+$0x0], $0xffff  }
0xc6: {  	v37 =	vor.u32 $0x1B, v54;
	v36 =	vor.u32 $0x1C, v54;
	v11 =	vor.u32 $0x6, v54;
	v10 =	vld.idx.msk [tilespmem:v5+s15+$0x0], $0xffff  }
0xc7: {  	v35 =	vor.u32 $0x1D, v54;
	v7 =	vor.u32 $0x4, v54;
	v34 =	vor.u32 $0x1E, v54;
	v5 =	vld.idx.msk [tilespmem:v5+s14+$0x0], $0xffff  }
0xc8: {  	v33 =	vor.u32 $0x1F, v54;
	v32 =	vor.u32 $0x20, v54;
	v31 =	vor.u32 $0x21, v54;
	v8 =	vld.idx.msk [tilespmem:v1+s15+$0x0], $0xffff  }
0xc9: {  	v30 =	vor.u32 $0x22, v54;
	v29 =	vor.u32 $0x23, v54;
	v28 =	vor.u32 $0x24, v54;
	v1 =	vld.idx.msk [tilespmem:v1+s14+$0x0], $0xffff  }
0xca: {  	v27 =	vor.u32 $0x25, v54;
	v26 =	vor.u32 $0x26, v54;
	v56 =	vld.idx.msk [tilespmem:v9+s15+$0x0], $0xffff;
	v4 =	vmul.f32 v6, v4  }
0xcb: {  	v25 =	vor.u32 $0x27, v54;
	v24 =	vor.u32 $0x28, v54;
	v23 =	vor.u32 $0x29, v54;
	v58 =	vld.idx.msk [tilespmem:v11+s15+$0x0], $0xffff  }
0xcc: {  	v22 =	vor.u32 $0x2A, v54;
	v6 =	vld.idx.msk [tilespmem:v7+s15+$0x0], $0xffff;
	v2 =	vmul.f32 v2, v3;
	v4 =	vadd.f32 $0.0e+00, v4  }
0xcd: {  	v21 =	vor.u32 $0x2B, v54;
	v19 =	vor.u32 $0x2C, v54;
	v3 =	vld.idx.msk [tilespmem:v7+s14+$0x0], $0xffff;
	v7 =	vor.u32 $0x7, v54  }
0xce: {  	v20 =	vor.u32 $0x2D, v54;
	v59 =	vld.idx.msk [tilespmem:v11+s14+$0x0], $0xffff;
	v1 =	vmul.f32 v8, v1;
	v2 =	vadd.f32 v2, v4  }
0xcf: {  	v17 =	vor.u32 $0x2E, v54;
	v57 =	vor.u32 $0x8, v54;
	v18 =	vor.u32 $0x2F, v54;
	v8 =	vld.idx.msk [tilespmem:v9+s14+$0x0], $0xffff  }
0xd0: {  	v16 =	vor.u32 $0x30, v54;
	v4 =	vmul.f32 v10, v5;
	v1 =	vadd.f32 v1, v2  }
0xd1: {  	v15 =	vor.u32 $0x31, v54;
	v14 =	vor.u32 $0x32, v54;
	v61 =	vor.u32 $0x9, v54  }
0xd2: {  	v13 =	vor.u32 $0x33, v54;
	v60 =	vld.idx.msk [tilespmem:v7+s15+$0x0], $0xffff;
	v2 =	vmul.f32 v6, v3;
	v1 =	vadd.f32 v4, v1  }
0xd3: {  	v12 =	vor.u32 $0x34, v54;
	v11 =	vor.u32 $0x35, v54;
	v58 =	vmul.f32 v58, v59;
	v62 =	vld.idx.msk [tilespmem:v7+s14+$0x0], $0xffff  }
0xd4: {  	v63 =	vld.idx.msk [tilespmem:v57+s15+$0x0], $0xffff;
	v10 =	vor.u32 $0x36, v54;
	v56 =	vmul.f32 v56, v8;
	v1 =	vadd.f32 v2, v1  }
0xd5: {  	v57 =	vld.idx.msk [tilespmem:v57+s14+$0x0], $0xffff;
	v9 =	vor.u32 $0x37, v54;
	v5 =	vor.u32 $0x3A, v54;
	v7 =	vor.u32 $0x38, v54  }
0xd6: {  	v59 =	vld.idx.msk [tilespmem:v61+s14+$0x0], $0xffff;
	v6 =	vor.u32 $0x3B, v54;
	v3 =	vor.u32 $0x3D, v54;
	v56 =	vadd.f32 v56, v1  }
0xd7: {  	v61 =	vld.idx.msk [tilespmem:v61+s15+$0x0], $0xffff;
	v4 =	vor.u32 $0x3C, v54;
	v8 =	vor.u32 $0x39, v54;
	v2 =	vor.u32 $0x3E, v54  }
0xd8: {  	v0 =	vld.idx.msk [tilespmem:v55+s14+$0x0], $0xffff;
	v1 =	vor.u32 $0x3F, v54;
	v54 =	vmul.f32 v60, v62;
	v56 =	vadd.f32 v58, v56  }
0xd9: {  	v55 =	vld.idx.msk [tilespmem:v55+s15+$0x0], $0xffff  }
0xda: {  	v57 =	vmul.f32 v63, v57;
	v58 =	vld.idx.msk [tilespmem:v52+s14+$0x0], $0xffff;
	v54 =	vadd.f32 v54, v56  }
0xdb: {  	v52 =	vld.idx.msk [tilespmem:v52+s15+$0x0], $0xffff  }
0xdc: {  	v63 =	vmul.f32 v61, v59;
	v60 =	vld.idx.msk [tilespmem:v53+s14+$0x0], $0xffff;
	v54 =	vadd.f32 v57, v54  }
0xdd: {  	v53 =	vld.idx.msk [tilespmem:v53+s15+$0x0], $0xffff  }
0xde: {  	v0 =	vmul.f32 v55, v0;
	v61 =	vld.idx.msk [tilespmem:v51+s14+$0x0], $0xffff;
	v54 =	vadd.f32 v63, v54  }
0xdf: {  	v51 =	vld.idx.msk [tilespmem:v51+s15+$0x0], $0xffff  }
0xe0: {  	v62 =	vld.idx.msk [tilespmem:v50+s14+$0x0], $0xffff;
	v52 =	vmul.f32 v52, v58;
	v0 =	vadd.f32 v0, v54  }
0xe1: {  	v50 =	vld.idx.msk [tilespmem:v50+s15+$0x0], $0xffff  }
0xe2: {  	v53 =	vmul.f32 v53, v60;
	v63 =	vld.idx.msk [tilespmem:v49+s14+$0x0], $0xffff;
	v0 =	vadd.f32 v52, v0  }
0xe3: {  	v49 =	vld.idx.msk [tilespmem:v49+s15+$0x0], $0xffff  }
0xe4: {  	v51 =	vmul.f32 v51, v61;
	v56 =	vld.idx.msk [tilespmem:v48+s14+$0x0], $0xffff;
	v0 =	vadd.f32 v53, v0  }
0xe5: {  	v48 =	vld.idx.msk [tilespmem:v48+s15+$0x0], $0xffff  }
0xe6: {  	v50 =	vmul.f32 v50, v62;
	v58 =	vld.idx.msk [tilespmem:v47+s14+$0x0], $0xffff;
	v0 =	vadd.f32 v51, v0  }
0xe7: {  	v47 =	vld.idx.msk [tilespmem:v47+s15+$0x0], $0xffff  }
0xe8: {  	v59 =	vld.idx.msk [tilespmem:v46+s14+$0x0], $0xffff;
	v49 =	vmul.f32 v49, v63;
	v0 =	vadd.f32 v50, v0  }
0xe9: {  	v46 =	vld.idx.msk [tilespmem:v46+s15+$0x0], $0xffff  }
0xea: {  	v60 =	vld.idx.msk [tilespmem:v45+s14+$0x0], $0xffff;
	v48 =	vmul.f32 v48, v56;
	v0 =	vadd.f32 v49, v0  }
0xeb: {  	v45 =	vld.idx.msk [tilespmem:v45+s15+$0x0], $0xffff  }
0xec: {  	v61 =	vld.idx.msk [tilespmem:v44+s14+$0x0], $0xffff;
	v47 =	vmul.f32 v47, v58;
	v0 =	vadd.f32 v48, v0  }
0xed: {  	v44 =	vld.idx.msk [tilespmem:v44+s15+$0x0], $0xffff  }
0xee: {  	v46 =	vmul.f32 v46, v59;
	v62 =	vld.idx.msk [tilespmem:v43+s14+$0x0], $0xffff;
	v0 =	vadd.f32 v47, v0  }
0xef: {  	v43 =	vld.idx.msk [tilespmem:v43+s15+$0x0], $0xffff  }
0xf0: {  	v45 =	vmul.f32 v45, v60;
	v63 =	vld.idx.msk [tilespmem:v42+s14+$0x0], $0xffff;
	v0 =	vadd.f32 v46, v0  }
0xf1: {  	v42 =	vld.idx.msk [tilespmem:v42+s15+$0x0], $0xffff  }
0xf2: {  	v44 =	vmul.f32 v44, v61;
	v51 =	vld.idx.msk [tilespmem:v41+s14+$0x0], $0xffff;
	v0 =	vadd.f32 v45, v0  }
0xf3: {  	v41 =	vld.idx.msk [tilespmem:v41+s15+$0x0], $0xffff  }
0xf4: {  	v43 =	vmul.f32 v43, v62;
	v52 =	vld.idx.msk [tilespmem:v40+s14+$0x0], $0xffff;
	v0 =	vadd.f32 v44, v0  }
0xf5: {  	v40 =	vld.idx.msk [tilespmem:v40+s15+$0x0], $0xffff  }
0xf6: {  	v53 =	vld.idx.msk [tilespmem:v39+s14+$0x0], $0xffff;
	v42 =	vmul.f32 v42, v63;
	v0 =	vadd.f32 v43, v0  }
0xf7: {  	v39 =	vld.idx.msk [tilespmem:v39+s15+$0x0], $0xffff  }
0xf8: {  	v54 =	vld.idx.msk [tilespmem:v38+s14+$0x0], $0xffff;
	v41 =	vmul.f32 v41, v51;
	v0 =	vadd.f32 v42, v0  }
0xf9: {  	v38 =	vld.idx.msk [tilespmem:v38+s15+$0x0], $0xffff  }
0xfa: {  	v55 =	vld.idx.msk [tilespmem:v37+s14+$0x0], $0xffff;
	v40 =	vmul.f32 v40, v52;
	v0 =	vadd.f32 v41, v0  }
0xfb: {  	v37 =	vld.idx.msk [tilespmem:v37+s15+$0x0], $0xffff  }
0xfc: {  	v56 =	vld.idx.msk [tilespmem:v36+s14+$0x0], $0xffff;
	v39 =	vmul.f32 v39, v53;
	v0 =	vadd.f32 v40, v0  }
0xfd: {  	v36 =	vld.idx.msk [tilespmem:v36+s15+$0x0], $0xffff  }
0xfe: {  	v57 =	vld.idx.msk [tilespmem:v35+s14+$0x0], $0xffff;
	v38 =	vmul.f32 v38, v54;
	v0 =	vadd.f32 v39, v0  }
0xff: {  	v35 =	vld.idx.msk [tilespmem:v35+s15+$0x0], $0xffff  }
0x100: {  	v37 =	vmul.f32 v37, v55;
	v58 =	vld.idx.msk [tilespmem:v34+s14+$0x0], $0xffff;
	v0 =	vadd.f32 v38, v0  }
0x101: {  	v34 =	vld.idx.msk [tilespmem:v34+s15+$0x0], $0xffff  }
0x102: {  	v59 =	vld.idx.msk [tilespmem:v33+s14+$0x0], $0xffff;
	v36 =	vmul.f32 v36, v56;
	v0 =	vadd.f32 v37, v0  }
0x103: {  	v33 =	vld.idx.msk [tilespmem:v33+s15+$0x0], $0xffff  }
0x104: {  	v60 =	vld.idx.msk [tilespmem:v32+s14+$0x0], $0xffff;
	v35 =	vmul.f32 v35, v57;
	v0 =	vadd.f32 v36, v0  }
0x105: {  	v32 =	vld.idx.msk [tilespmem:v32+s15+$0x0], $0xffff  }
0x106: {  	v61 =	vld.idx.msk [tilespmem:v31+s14+$0x0], $0xffff;
	v34 =	vmul.f32 v34, v58;
	v0 =	vadd.f32 v35, v0  }
0x107: {  	v31 =	vld.idx.msk [tilespmem:v31+s15+$0x0], $0xffff  }
0x108: {  	v33 =	vmul.f32 v33, v59;
	v62 =	vld.idx.msk [tilespmem:v30+s14+$0x0], $0xffff;
	v0 =	vadd.f32 v34, v0  }
0x109: {  	v30 =	vld.idx.msk [tilespmem:v30+s15+$0x0], $0xffff  }
0x10a: {  	v32 =	vmul.f32 v32, v60;
	v63 =	vld.idx.msk [tilespmem:v29+s14+$0x0], $0xffff;
	v0 =	vadd.f32 v33, v0  }
0x10b: {  	v29 =	vld.idx.msk [tilespmem:v29+s15+$0x0], $0xffff  }
0x10c: {  	v31 =	vmul.f32 v31, v61;
	v40 =	vld.idx.msk [tilespmem:v28+s14+$0x0], $0xffff;
	v0 =	vadd.f32 v32, v0  }
0x10d: {  	v28 =	vld.idx.msk [tilespmem:v28+s15+$0x0], $0xffff  }
0x10e: {  	v30 =	vmul.f32 v30, v62;
	v41 =	vld.idx.msk [tilespmem:v27+s14+$0x0], $0xffff;
	v0 =	vadd.f32 v31, v0  }
0x10f: {  	v27 =	vld.idx.msk [tilespmem:v27+s15+$0x0], $0xffff  }
0x110: {  	v29 =	vmul.f32 v29, v63;
	v42 =	vld.idx.msk [tilespmem:v26+s14+$0x0], $0xffff;
	v0 =	vadd.f32 v30, v0  }
0x111: {  	v26 =	vld.idx.msk [tilespmem:v26+s15+$0x0], $0xffff  }
0x112: {  	v43 =	vld.idx.msk [tilespmem:v25+s14+$0x0], $0xffff;
	v28 =	vmul.f32 v28, v40;
	v0 =	vadd.f32 v29, v0  }
0x113: {  	v25 =	vld.idx.msk [tilespmem:v25+s15+$0x0], $0xffff  }
0x114: {  	v44 =	vld.idx.msk [tilespmem:v24+s14+$0x0], $0xffff;
	v27 =	vmul.f32 v27, v41;
	v0 =	vadd.f32 v28, v0  }
0x115: {  	v24 =	vld.idx.msk [tilespmem:v24+s15+$0x0], $0xffff  }
0x116: {  	v45 =	vld.idx.msk [tilespmem:v23+s14+$0x0], $0xffff;
	v26 =	vmul.f32 v26, v42;
	v0 =	vadd.f32 v27, v0  }
0x117: {  	v23 =	vld.idx.msk [tilespmem:v23+s15+$0x0], $0xffff  }
0x118: {  	v46 =	vld.idx.msk [tilespmem:v22+s14+$0x0], $0xffff;
	v25 =	vmul.f32 v25, v43;
	v0 =	vadd.f32 v26, v0  }
0x119: {  	v22 =	vld.idx.msk [tilespmem:v22+s15+$0x0], $0xffff  }
0x11a: {  	v47 =	vld.idx.msk [tilespmem:v21+s14+$0x0], $0xffff;
	v24 =	vmul.f32 v24, v44;
	v0 =	vadd.f32 v25, v0  }
0x11b: {  	v21 =	vld.idx.msk [tilespmem:v21+s15+$0x0], $0xffff  }
0x11c: {  	v48 =	vld.idx.msk [tilespmem:v19+s14+$0x0], $0xffff;
	v23 =	vmul.f32 v23, v45;
	v0 =	vadd.f32 v24, v0  }
0x11d: {  	v19 =	vld.idx.msk [tilespmem:v19+s15+$0x0], $0xffff  }
0x11e: {  	v49 =	vld.idx.msk [tilespmem:v20+s14+$0x0], $0xffff;
	v22 =	vmul.f32 v22, v46;
	v0 =	vadd.f32 v23, v0  }
0x11f: {  	v20 =	vld.idx.msk [tilespmem:v20+s15+$0x0], $0xffff  }
0x120: {  	v50 =	vld.idx.msk [tilespmem:v17+s14+$0x0], $0xffff;
	v21 =	vmul.f32 v21, v47;
	v0 =	vadd.f32 v22, v0  }
0x121: {  	v17 =	vld.idx.msk [tilespmem:v17+s15+$0x0], $0xffff  }
0x122: {  	v51 =	vld.idx.msk [tilespmem:v18+s14+$0x0], $0xffff;
	v19 =	vmul.f32 v19, v48;
	v0 =	vadd.f32 v21, v0  }
0x123: {  	v18 =	vld.idx.msk [tilespmem:v18+s15+$0x0], $0xffff  }
0x124: {  	v52 =	vld.idx.msk [tilespmem:v16+s14+$0x0], $0xffff;
	v20 =	vmul.f32 v20, v49;
	v0 =	vadd.f32 v19, v0  }
0x125: {  	v16 =	vld.idx.msk [tilespmem:v16+s15+$0x0], $0xffff  }
0x126: {  	v53 =	vld.idx.msk [tilespmem:v15+s14+$0x0], $0xffff;
	v17 =	vmul.f32 v17, v50;
	v0 =	vadd.f32 v20, v0  }
0x127: {  	v15 =	vld.idx.msk [tilespmem:v15+s15+$0x0], $0xffff  }
0x128: {  	v54 =	vld.idx.msk [tilespmem:v14+s14+$0x0], $0xffff;
	v18 =	vmul.f32 v18, v51;
	v0 =	vadd.f32 v17, v0  }
0x129: {  	v14 =	vld.idx.msk [tilespmem:v14+s15+$0x0], $0xffff  }
0x12a: {  	v55 =	vld.idx.msk [tilespmem:v13+s14+$0x0], $0xffff;
	v16 =	vmul.f32 v16, v52;
	v0 =	vadd.f32 v18, v0  }
0x12b: {  	v13 =	vld.idx.msk [tilespmem:v13+s15+$0x0], $0xffff  }
0x12c: {  	v56 =	vld.idx.msk [tilespmem:v12+s14+$0x0], $0xffff;
	v15 =	vmul.f32 v15, v53;
	v0 =	vadd.f32 v16, v0  }
0x12d: {  	v12 =	vld.idx.msk [tilespmem:v12+s15+$0x0], $0xffff  }
0x12e: {  	v57 =	vld.idx.msk [tilespmem:v11+s14+$0x0], $0xffff;
	v14 =	vmul.f32 v14, v54;
	v0 =	vadd.f32 v15, v0  }
0x12f: {  	v11 =	vld.idx.msk [tilespmem:v11+s15+$0x0], $0xffff  }
0x130: {  	v13 =	vmul.f32 v13, v55;
	v15 =	vld.idx.msk [tilespmem:v10+s14+$0x0], $0xffff;
	v0 =	vadd.f32 v14, v0  }
0x131: {  	v10 =	vld.idx.msk [tilespmem:v10+s15+$0x0], $0xffff  }
0x132: {  	v12 =	vmul.f32 v12, v56;
	v14 =	vld.idx.msk [tilespmem:v9+s14+$0x0], $0xffff;
	v0 =	vadd.f32 v13, v0  }
0x133: {  	v9 =	vld.idx.msk [tilespmem:v9+s15+$0x0], $0xffff  }
0x134: {  	v11 =	vmul.f32 v11, v57;
	v13 =	vld.idx.msk [tilespmem:v7+s14+$0x0], $0xffff;
	v0 =	vadd.f32 v12, v0  }
0x135: {  	v7 =	vld.idx.msk [tilespmem:v7+s15+$0x0], $0xffff  }
0x136: {  	v58 =	vld.idx.msk [tilespmem:v8+s14+$0x0], $0xffff;
	v10 =	vmul.f32 v10, v15;
	v0 =	vadd.f32 v11, v0  }
0x137: {  	v8 =	vld.idx.msk [tilespmem:v8+s15+$0x0], $0xffff  }
0x138: {  	v59 =	vld.idx.msk [tilespmem:v5+s14+$0x0], $0xffff;
	v9 =	vmul.f32 v9, v14;
	v0 =	vadd.f32 v10, v0  }
0x139: {  	v5 =	vld.idx.msk [tilespmem:v5+s15+$0x0], $0xffff  }
0x13a: {  	v12 =	vld.idx.msk [tilespmem:v6+s14+$0x0], $0xffff;
	v7 =	vmul.f32 v7, v13;
	v0 =	vadd.f32 v9, v0  }
0x13b: {  	v6 =	vld.idx.msk [tilespmem:v6+s15+$0x0], $0xffff  }
0x13c: {  	v60 =	vld.idx.msk [tilespmem:v4+s14+$0x0], $0xffff;
	v8 =	vmul.f32 v8, v58;
	v0 =	vadd.f32 v7, v0  }
0x13d: {  	v4 =	vld.idx.msk [tilespmem:v4+s15+$0x0], $0xffff  }
0x13e: {  	v61 =	vld.idx.msk [tilespmem:v3+s14+$0x0], $0xffff;
	v5 =	vmul.f32 v5, v59;
	v0 =	vadd.f32 v8, v0  }
0x13f: {  	v3 =	vld.idx.msk [tilespmem:v3+s15+$0x0], $0xffff  }
0x140: {  	v62 =	vld.idx.msk [tilespmem:v2+s14+$0x0], $0xffff;
	v6 =	vmul.f32 v6, v12;
	v0 =	vadd.f32 v5, v0  }
0x141: {  	v2 =	vld.idx.msk [tilespmem:v2+s15+$0x0], $0xffff  }
0x142: {  	v4 =	vmul.f32 v4, v60;
	v63 =	vld.idx.msk [tilespmem:v1+s14+$0x0], $0xffff;
	v0 =	vadd.f32 v6, v0  }
0x143: {  	p0 =	sne.s32 s26, $0x70;
	v1 =	vld.idx.msk [tilespmem:v1+s15+$0x0], $0xffff  }
.Ltmp0:
0x144: {  	v3 =	vmul.f32 v3, v61;
	v0 =	vadd.f32 v4, v0;
	(pc) =	sbr.rel @p0 .LBB2_3-.Ltmp0, $3  }
0x145: {  	_ = 	snop  }
0x146: {  	v2 =	vmul.f32 v2, v62;
	v0 =	vadd.f32 v3, v0;
	_ =	sdelay $0x1  }
0x147: {  	s26 =	sadd.s32 $0x10, s26;
	s25 =	smov.u32 s28;
	s28 =	sadd.s32 $0x10, s28;
	v1 =	vmul.f32 v1, v63;
	v13 =	vld [tilespmem:$0x1FFF0];
	v2 =	vadd.f32 v2, v0  }
0x148: {  	_ = 	snop  }
0x149: {  	v0 =	vadd.f32 v1, v2;
	_ =	sdelay $0x1  }
0x14a: {  	s22 =	sadd.s32 s4, s21;
	[tilespmem:s25+$0x0] =	vst v0  }
0x14b: {  	[hbm4b:s22+s6] =	stream.linear.scatter [tilespmem:s17], [sflag:$0x2], $0x80, $0x38;
	[tilespmem:$0x6910] =	vst v63  }
0x14c: {  	s20 =	sadd.s32 $0x1, s20;
	_ =	swait.ge [sflag:s12], $0x80  }
0x14d: {  	p0 =	sne.s32 s20, s10;
	[sflag:s12] =	ssyncset.done $0x0  }
.Ltmp1:
0x14e: {  	s31 =	sadd.s32 s8, s21;
	[sflag:s12] =	ssyncadd.s32 $0xFFFFFF80;
	(pc) =	sbr.rel @p0 .LBB2_2-.Ltmp1, $4  }
0x14f: {  	[hbm4b:s31+s6] =	stream.linear.scatter [tilespmem:s18], [sflag:$0x2], $0x80, $0x38;
	[tilespmem:$0x6910] =	vst v63  }
0x150: {  	_ =	swait.ge [sflag:s12], $0x80  }
0x151: {  	[sflag:s12] =	ssyncset.done $0x0  }
0x152: {  	[sflag:s12] =	ssyncadd.s32 $0xFFFFFF80  }
0x153: {  	s19 =	sadd.s32 $0x1, s19  }
0x154: {  	p0 =	sne.s32 s19, s11  }
.Ltmp2:
0x155: {  	_ = 	snop;
	(pc) =	sbr.rel @p0 .LBB2_1-.Ltmp2, $1  }
0x156: {  	_ =	sdelay $0x3  }
0x157: {  	_ =	sfence.sel $0x180000  }
0x158: {  	[bflag:$0x0] =	sbarrier.arrive $0xFFFF  }
0x159: {  	p0 =	sne.s32 s5, $0x0;
	_ =	strace $0x90000047  }
0x15a: {  	s0 =	sadd.s32 @!p0 $0x100000, s0;
	[bflag:$0x2] =	sbarrier.arrive $0xFFFF  }
0x15b: {  	[sflag:s0] =	ssyncadd.tile.s32 @!p0 $0x1;
	_ =	shalt  }
.Lfunc_end2:
_tile_overlayer_lowered:
.L_overlay_start_2:
0x15c: {  	(tag) =	ssettag $0x2  }
0x15d: {  	s0 =	rddreg [dreg:$0x0];
	s2 =	stileid.u32  }
0x15e: {  	s1 =	rddreg [dreg:$0x1];
	p0 =	sne.s32 s2, $0x0  }
0x15f: {  	s3 =	rddreg [dreg:$0x2];
	[bflag:$0x3] =	sbarrier.arrive $0xFFFF;
	s2 =	simm.s32 @!p0 $0x1C02  }
0x160: {  	[timem:s3], [sflag:s2] =	dma.local @!p0 [hbm:s0], s1  }
0x161: {  	s0 =	simm.s32 @!p0 $0x2  }
0x162: {  	_ =	swait.ge @!p0 [sflag:s0], s1  }
0x163: {  	s1 =	ssub.s32 @!p0 $0x0, s1;
	[sflag:s0] =	ssyncset.done @!p0 $0x0  }
0x164: {  	[sflag:s0] =	ssyncadd.s32 @!p0 s1  }
0x165: {  	[bflag:$0x3] =	sbarrier.arrive $0xFFFF  }
0x166: {  	_ =	shalt  }

</sc_bundles>
